<compile_context>
chip_gen: v7x
topology: tpu7x:2x2x1
jax: 0.10.2.dev20260603
libtpu: 0.0.44.dev20260713+nightly
codegen_flags: <defaults>
</compile_context>

<pallas_src>
import numpy as np

import jax
import jax.numpy as jnp
from jax.experimental import pallas as pl
from jax.experimental.pallas import tpu as pltpu
from jax.experimental.pallas import tpu_sc as plsc

_B, _L, _D_IN = 4, 1024, 512
_G, _V = 2, 320
_D_G = 128
_N = _B * _L
_R = 1024
_NSTEPS = _N // _R
_GATHER_WINDOW = 128

_U32 = jnp.uint32


def _rotl(x, r):
    return jax.lax.shift_left(x, _U32(r)) | jax.lax.shift_right_logical(x, _U32(32 - r))


def _threefry2x32(k1, k2, x0, x1):
    rot = ((13, 15, 26, 6), (17, 29, 16, 24))
    ks = (k1, k2, k1 ^ k2 ^ _U32(0x1BD11BDA))
    x0 = x0 + ks[0]
    x1 = x1 + ks[1]
    sched = ((ks[1], ks[2], 1), (ks[2], ks[0], 2), (ks[0], ks[1], 3),
             (ks[1], ks[2], 4), (ks[2], ks[0], 5))
    for i, (a0, a1, c) in enumerate(sched):
        for r in rot[i % 2]:
            x0 = x0 + x1
            x1 = _rotl(x1, r)
            x1 = x1 ^ x0
        x0 = x0 + a0
        x1 = x1 + a1 + _U32(c)
    return x0, x1


def _gumbel_block(base, shape):
    row = jax.lax.broadcasted_iota(_U32, shape, 0)
    col = jax.lax.broadcasted_iota(_U32, shape, 1)
    c = base + row * _U32(_G * _V) + col
    b1, b2 = _threefry2x32(_U32(0), _U32(42), jnp.zeros(shape, _U32), c)
    bits = b1 ^ b2
    fb = jax.lax.shift_right_logical(bits, _U32(9)) | _U32(0x3F800000)
    floats = jax.lax.bitcast_convert_type(fb, jnp.float32) - jnp.float32(1.0)
    tiny = jnp.float32(np.finfo(np.float32).tiny)
    u = jnp.maximum(tiny, floats * (jnp.float32(1.0) - tiny) + tiny)
    return -jnp.log(-jnp.log(u))


def _tc_body(x_ref, w_ref, b_ref, idx0_ref, idx1_ref, perp_ref, acc_ref):
    i = pl.program_id(0)
    x = x_ref[...]
    gv = _G * _V
    h = jnp.dot(x, w_ref[...], preferred_element_type=jnp.float32)
    h = h + b_ref[...]
    base = _U32(i) * _U32(_R * gv)
    z = h + _gumbel_block(base, (_R, gv))
    sel = jax.lax.broadcasted_iota(jnp.int32, (_R, gv), 1) < _V
    ninf = jnp.float32(-jnp.inf)
    i0 = jnp.argmax(jnp.where(sel, z, ninf), axis=-1).astype(jnp.int32)
    i1 = jnp.argmax(jnp.where(sel, ninf, z), axis=-1).astype(jnp.int32)
    idx0_ref[...] = i0.reshape(1, _R)
    idx1_ref[...] = i1.reshape(1, _R)
    m0 = jnp.max(jnp.where(sel, h, ninf), axis=-1, keepdims=True)
    m1 = jnp.max(jnp.where(sel, ninf, h), axis=-1, keepdims=True)
    e = jnp.exp(h - jnp.where(sel, m0, m1))
    s0 = jnp.sum(jnp.where(sel, e, 0.0), axis=-1, keepdims=True)
    s1 = jnp.sum(jnp.where(sel, 0.0, e), axis=-1, keepdims=True)
    p = e / jnp.where(sel, s0, s1)
    colsum = jnp.sum(p, axis=0)[None, :]

    @pl.when(i == 0)
    def _():
        acc_ref[...] = colsum

    @pl.when(i > 0)
    def _():
        acc_ref[...] = acc_ref[...] + colsum

    @pl.when(i == _NSTEPS - 1)
    def _():
        avg = acc_ref[...] * (1.0 / _N)
        q = avg * jnp.log(avg + 1e-7)
        sel1 = jax.lax.broadcasted_iota(jnp.int32, (1, gv), 1) < _V
        t0 = jnp.sum(jnp.where(sel1, q, 0.0))
        t1 = jnp.sum(jnp.where(sel1, 0.0, q))
        perp_ref[0, 0] = jnp.exp(-t0) + jnp.exp(-t1)


def _tc_call(x2, w, b2):
    return pl.pallas_call(
        _tc_body,
        grid=(_NSTEPS,),
        in_specs=[
            pl.BlockSpec((_R, _D_IN), lambda i: (i, 0)),
            pl.BlockSpec((_D_IN, _G * _V), lambda i: (0, 0)),
            pl.BlockSpec((1, _G * _V), lambda i: (0, 0)),
        ],
        out_specs=[
            pl.BlockSpec((1, _R), lambda i: (0, i)),
            pl.BlockSpec((1, _R), lambda i: (0, i)),
            pl.BlockSpec(memory_space=pltpu.SMEM),
        ],
        out_shape=[
            jax.ShapeDtypeStruct((1, _N), jnp.int32),
            jax.ShapeDtypeStruct((1, _N), jnp.int32),
            jax.ShapeDtypeStruct((1, 1), jnp.float32),
        ],
        scratch_shapes=[pltpu.VMEM((1, _G * _V), jnp.float32)],
    )(x2, w, b2)


def _sc_gather(cb_flat, idx0, idx1):
    mesh = plsc.VectorSubcoreMesh(core_axis_name="core", subcore_axis_name="subcore")

    @pl.kernel(out_type=jax.ShapeDtypeStruct((_N, _G * _D_G), jnp.float32),
               mesh=mesh)
    def _gather_kernel(cb_hbm, i0_hbm, i1_hbm, o_hbm):
        def body(i0_vmem, i1_vmem, o_vmem):
            pltpu.sync_copy(cb_hbm.at[i0_vmem.at[0]], o_vmem.at[:, :_D_G])
            pltpu.sync_copy(cb_hbm.at[i1_vmem.at[0]], o_vmem.at[:, _D_G:])

        pltpu.emit_pipeline(
            body,
            grid=(_N // _GATHER_WINDOW,),
            in_specs=[pl.BlockSpec((1, _GATHER_WINDOW),
                                   index_map=lambda i: (0, i)),
                      pl.BlockSpec((1, _GATHER_WINDOW),
                                   index_map=lambda i: (0, i))],
            out_specs=[pl.BlockSpec((_GATHER_WINDOW, _G * _D_G),
                                    index_map=lambda i: (i, 0))],
            core_axis_name=("core", "subcore"),
            dimension_semantics=(pltpu.PARALLEL,),
        )(i0_hbm, i1_hbm, o_hbm)

    return _gather_kernel(cb_flat, idx0, idx1)


def kernel(hidden_states, W, b, codevectors):
    x2 = hidden_states.reshape(_N, _D_IN)
    b2 = b.reshape(1, _G * _V)

    idx0, idx1, perp = _tc_call(x2, W, b2)

    cb_flat = codevectors.reshape(_G * _V, _D_G)
    cv_rows = _sc_gather(cb_flat, idx0, idx1)
    cv = cv_rows.reshape(_B, _L, _G * _D_G)
    return cv, perp.reshape(())

# --- scband reference (transcript-rebuilt; emitter-appended) ---
"""Pipeline reference for scband-wav2-vec2-gumbel-vector-quantizer-1400159338917 (READ-ONLY COPY).

The authoritative reference and input builder live on the scoring server;
editing this copy changes nothing except your own understanding.
"""

import jax, jax.numpy as jnp
import numpy as np

B, L, D_IN = 4, 1024, 512
G, V = 2, 320
CV_DIM = 256
D_G = CV_DIM // G
TAU = 2.0


def setup_inputs(seed: int = 0):
    key = jax.random.key(seed)
    k1, k2, k3 = jax.random.split(key, 3)
    hidden_states = jax.random.normal(k1, (B, L, D_IN), dtype=jnp.float32)
    W = jax.random.normal(k2, (D_IN, G * V), dtype=jnp.float32) * 0.02
    b = jnp.zeros((G * V,), dtype=jnp.float32)
    codevectors = jax.random.normal(k3, (1, G * V, D_G), dtype=jnp.float32)
    return {"hidden_states": hidden_states, "W": W, "b": b, "codevectors": codevectors}


def reference(hidden_states, W, b, codevectors):
    batch_size, seq_len, _ = hidden_states.shape
    # weight_proj
    h = hidden_states @ W + b  # [B, L, G*V]
    h = h.reshape(batch_size * seq_len * G, V)
    # gumbel softmax, hard=True, tau=TAU (training branch)
    gkey = jax.random.key(42)
    gumbels = jax.random.gumbel(gkey, h.shape, dtype=jnp.float32)
    y_soft = jax.nn.softmax((h + gumbels) / TAU, axis=-1)
    idx = jnp.argmax(y_soft, axis=-1)
    y_hard = jax.nn.one_hot(idx, V, dtype=y_soft.dtype)
    codevector_probs = y_hard + y_soft - jax.lax.stop_gradient(y_soft)  # straight-through
    # perplexity from soft distribution (no mask)
    soft_dist = jax.nn.softmax(h.reshape(batch_size * seq_len, G, V), axis=-1)
    avg_probs = jnp.mean(soft_dist, axis=0)  # [G, V]
    perplexity = jnp.sum(jnp.exp(-jnp.sum(avg_probs * jnp.log(avg_probs + 1e-7), axis=-1)))
    # codevector selection: probs[:, :, None] * codevectors, summed over V per group
    # (einsum is the identical math without materializing the [B*L, G*V, D_G] tensor)
    probs = codevector_probs.reshape(batch_size * seq_len, G, V)
    cb = codevectors.reshape(G, V, D_G)
    cv = jnp.einsum('ngv,gvd->ngd', probs, cb)
    cv = cv.reshape(batch_size, seq_len, G * D_G)
    return (cv, perplexity)

if __name__ == "__main__":
    import jax
    _d = setup_inputs()
    print(jax.jit(kernel)(*tuple(_d.values())))

</pallas_src>

<mosaic_0001>
#map = affine_map<(d0, d1) -> (0, 0)>
module attributes {stable_mosaic.version = 14 : i64} {
  func.func @_gather_kernel(%arg0: i32, %arg1: i32, %arg2: memref<640x128xf32, #tpu.memory_space<hbm>>, %arg3: memref<1x4096xi32, #tpu.memory_space<hbm>>, %arg4: memref<1x4096xi32, #tpu.memory_space<hbm>>, %arg5: memref<4096x256xf32, #tpu.memory_space<hbm>>) attributes {dimension_semantics = [#tpu.dimension_semantics<core_parallel>, #tpu.dimension_semantics<subcore_parallel>], iteration_bounds = array<i64: 2, 16>, scalar_prefetch = 0 : i64, scratch_operands = 0 : i64, tpu.core_type = #tpu.core_type<sc_vector_subcore>, window_params = [{transform_indices = #map}, {transform_indices = #map}, {transform_indices = #map}, {transform_indices = #map}]} {
    %mul3A = arith.constant 1 : i32
    %mul3A_0 = arith.muli %arg1, %mul3A : i32
    %add3A = arith.constant 0 : i32
    %add3A_1 = arith.addi %add3A, %mul3A_0 : i32
    %mul3A_2 = arith.constant 16 : i32
    %mul3A_3 = arith.muli %arg0, %mul3A_2 : i32
    %add3A_4 = arith.addi %add3A_1, %mul3A_3 : i32
    %mul3A_5 = arith.constant 1 : i32
    %mul3A_6 = arith.muli %add3A_4, %mul3A_5 : i32
    "tpu.region"() ({
      %run_scoped3A = memref.alloca() : memref<2x1x128xi32, #tpu.memory_space<vmem>>
      %run_scoped3A_7 = tpu.sem_alloc : memref<2x!tpu.dma_semaphore, #tpu.memory_space<semaphore_mem>>
      %run_scoped3A_8 = memref.alloca() : memref<2x1x128xi32, #tpu.memory_space<vmem>>
      %run_scoped3A_9 = tpu.sem_alloc : memref<2x!tpu.dma_semaphore, #tpu.memory_space<semaphore_mem>>
      %run_scoped3A_10 = memref.alloca() : memref<2x128x256xf32, #tpu.memory_space<vmem>>
      %run_scoped3A_11 = tpu.sem_alloc : memref<2x!tpu.dma_semaphore, #tpu.memory_space<semaphore_mem>>
      %add3A_12 = arith.constant 0 : i32
      %add3A_13 = arith.addi %add3A_12, %mul3A_6 : i32
      %select_n3A = arith.constant true
      %select_n3A_14 = arith.constant 0 : i32
      %select_n3A_15 = arith.constant -1 : i32
      %select_n3A_16 = arith.select %select_n3A, %select_n3A_15, %select_n3A_14 : i32
      %eq3A = arith.constant -1 : i32
      %eq3A_17 = arith.cmpi eq, %select_n3A_16, %eq3A : i32
      %select_n3A_18 = arith.constant 0 : i32
      %select_n3A_19 = arith.select %eq3A_17, %select_n3A_18, %select_n3A_16 : i32
      %add3A_20 = arith.constant 0 : i32
      %add3A_21 = arith.addi %add3A_20, %mul3A_6 : i32
      %select_n3A_22 = arith.constant true
      %select_n3A_23 = arith.constant 0 : i32
      %select_n3A_24 = arith.constant 1 : i32
      %select_n3A_25 = arith.select %select_n3A_22, %select_n3A_24, %select_n3A_23 : i32
      %eq3A_26 = arith.constant 1 : i32
      %eq3A_27 = arith.cmpi eq, %select_n3A_25, %eq3A_26 : i32
      %select_n3A_28 = arith.constant 0 : i32
      %select_n3A_29 = arith.select %eq3A_27, %select_n3A_28, %select_n3A_25 : i32
      %add3A_30 = arith.constant 0 : i32
      %add3A_31 = arith.addi %add3A_30, %mul3A_6 : i32
      %select_n3A_32 = arith.constant true
      %select_n3A_33 = arith.constant 0 : i32
      %select_n3A_34 = arith.constant 1 : i32
      %select_n3A_35 = arith.select %select_n3A_32, %select_n3A_34, %select_n3A_33 : i32
      %eq3A_36 = arith.constant 1 : i32
      %eq3A_37 = arith.cmpi eq, %select_n3A_35, %eq3A_36 : i32
      %select_n3A_38 = arith.constant 0 : i32
      %select_n3A_39 = arith.select %eq3A_37, %select_n3A_38, %select_n3A_35 : i32
      %add3A_40 = arith.constant 0 : i32
      %add3A_41 = arith.addi %add3A_40, %mul3A_6 : i32
      "tpu.trace_start"() <{level = 10 : i32, message = "ep_initialize_0"}> : () -> ()
      %rem3A = arith.constant 0 : i32
      %rem3A_42 = arith.constant 2 : i32
      %rem3A_43 = arith.remui %rem3A, %rem3A_42 : i32
      %mul3A_44 = arith.constant 128 : i32
      %mul3A_45 = arith.muli %mul3A_44, %add3A_13 : i32
      %dma_start3A = arith.constant 0 : i32
      %dma_start3A_46 = arith.constant 0 : i32
      %dma_start3A_47 = tpu.memref_slice %run_scoped3A[%rem3A_43, %dma_start3A, %dma_start3A_46] : memref<2x1x128xi32, #tpu.memory_space<vmem>> -> memref<1x1x128xi32, #tpu.memory_space<vmem>>
      %dma_start3A_48 = tpu.memref_squeeze %dma_start3A_47 : memref<1x1x128xi32, #tpu.memory_space<vmem>> -> memref<1x128xi32, #tpu.memory_space<vmem>>
      %dma_start3A_49 = arith.constant 0 : i32
      %dma_start3A_50 = tpu.memref_slice %arg3[%dma_start3A_49, %mul3A_45] : memref<1x4096xi32, #tpu.memory_space<hbm>> -> memref<1x128xi32, #tpu.memory_space<hbm>>
      %dma_start3A_51 = tpu.memref_slice %run_scoped3A_7[%rem3A_43] : memref<2x!tpu.dma_semaphore, #tpu.memory_space<semaphore_mem>> -> memref<1x!tpu.dma_semaphore, #tpu.memory_space<semaphore_mem>>
      %dma_start3A_52 = tpu.memref_squeeze %dma_start3A_51 : memref<1x!tpu.dma_semaphore, #tpu.memory_space<semaphore_mem>> -> memref<!tpu.dma_semaphore, #tpu.memory_space<semaphore_mem>>
      %dma_start3A_53 = arith.constant 0 : i32
      %dma_start3A_54 = arith.constant 0 : i32
      %dma_start3A_55 = tpu.memref_slice %run_scoped3A[%rem3A_43, %dma_start3A_53, %dma_start3A_54] : memref<2x1x128xi32, #tpu.memory_space<vmem>> -> memref<1x1x128xi32, #tpu.memory_space<vmem>>
      %dma_start3A_56 = tpu.memref_squeeze %dma_start3A_55 : memref<1x1x128xi32, #tpu.memory_space<vmem>> -> memref<1x128xi32, #tpu.memory_space<vmem>>
      %dma_start3A_57 = arith.constant 0 : i32
      %dma_start3A_58 = tpu.memref_slice %arg3[%dma_start3A_57, %mul3A_45] : memref<1x4096xi32, #tpu.memory_space<hbm>> -> memref<1x128xi32, #tpu.memory_space<hbm>>
      tpu.enqueue_dma source(%dma_start3A_58 : memref<1x128xi32, #tpu.memory_space<hbm>>) target(%dma_start3A_56 : memref<1x128xi32, #tpu.memory_space<vmem>>) target_semaphore(%dma_start3A_52 : memref<!tpu.dma_semaphore, #tpu.memory_space<semaphore_mem>>)
      %add3A_59 = arith.constant 0 : i32
      %add3A_60 = arith.constant 1 : i32
      %add3A_61 = arith.addi %add3A_59, %add3A_60 : i32
      %select_n3A_62 = arith.constant true
      %select_n3A_63 = arith.constant 0 : i32
      %select_n3A_64 = arith.select %select_n3A_62, %add3A_61, %select_n3A_63 : i32
      %rem3A_65 = arith.constant 0 : i32
      %rem3A_66 = arith.constant 2 : i32
      %rem3A_67 = arith.remui %rem3A_65, %rem3A_66 : i32
      %mul3A_68 = arith.constant 128 : i32
      %mul3A_69 = arith.muli %mul3A_68, %add3A_13 : i32
      %dma_start3A_70 = arith.constant 0 : i32
      %dma_start3A_71 = arith.constant 0 : i32
      %dma_start3A_72 = tpu.memref_slice %run_scoped3A_8[%rem3A_67, %dma_start3A_70, %dma_start3A_71] : memref<2x1x128xi32, #tpu.memory_space<vmem>> -> memref<1x1x128xi32, #tpu.memory_space<vmem>>
      %dma_start3A_73 = tpu.memref_squeeze %dma_start3A_72 : memref<1x1x128xi32, #tpu.memory_space<vmem>> -> memref<1x128xi32, #tpu.memory_space<vmem>>
      %dma_start3A_74 = arith.constant 0 : i32
      %dma_start3A_75 = tpu.memref_slice %arg4[%dma_start3A_74, %mul3A_69] : memref<1x4096xi32, #tpu.memory_space<hbm>> -> memref<1x128xi32, #tpu.memory_space<hbm>>
      %dma_start3A_76 = tpu.memref_slice %run_scoped3A_9[%rem3A_67] : memref<2x!tpu.dma_semaphore, #tpu.memory_space<semaphore_mem>> -> memref<1x!tpu.dma_semaphore, #tpu.memory_space<semaphore_mem>>
      %dma_start3A_77 = tpu.memref_squeeze %dma_start3A_76 : memref<1x!tpu.dma_semaphore, #tpu.memory_space<semaphore_mem>> -> memref<!tpu.dma_semaphore, #tpu.memory_space<semaphore_mem>>
      %dma_start3A_78 = arith.constant 0 : i32
      %dma_start3A_79 = arith.constant 0 : i32
      %dma_start3A_80 = tpu.memref_slice %run_scoped3A_8[%rem3A_67, %dma_start3A_78, %dma_start3A_79] : memref<2x1x128xi32, #tpu.memory_space<vmem>> -> memref<1x1x128xi32, #tpu.memory_space<vmem>>
      %dma_start3A_81 = tpu.memref_squeeze %dma_start3A_80 : memref<1x1x128xi32, #tpu.memory_space<vmem>> -> memref<1x128xi32, #tpu.memory_space<vmem>>
      %dma_start3A_82 = arith.constant 0 : i32
      %dma_start3A_83 = tpu.memref_slice %arg4[%dma_start3A_82, %mul3A_69] : memref<1x4096xi32, #tpu.memory_space<hbm>> -> memref<1x128xi32, #tpu.memory_space<hbm>>
      tpu.enqueue_dma source(%dma_start3A_83 : memref<1x128xi32, #tpu.memory_space<hbm>>) target(%dma_start3A_81 : memref<1x128xi32, #tpu.memory_space<vmem>>) target_semaphore(%dma_start3A_77 : memref<!tpu.dma_semaphore, #tpu.memory_space<semaphore_mem>>)
      %add3A_84 = arith.constant 0 : i32
      %add3A_85 = arith.constant 1 : i32
      %add3A_86 = arith.addi %add3A_84, %add3A_85 : i32
      %select_n3A_87 = arith.constant true
      %select_n3A_88 = arith.constant 0 : i32
      %select_n3A_89 = arith.select %select_n3A_87, %add3A_86, %select_n3A_88 : i32
      "tpu.trace_stop"() : () -> ()
      %scan3A = arith.constant 0 : i32
      %scan3A_90 = arith.constant 0 : i32
      %scan3A_91 = arith.constant 0 : i32
      %scan3A_92 = arith.constant 0 : i32
      %scan3A_93 = arith.constant 0 : i32
      %scan3A_94 = arith.constant 0 : i32
      %eq3A_95 = arith.constant 0 : i32
      %eq3A_96 = arith.cmpi eq, %scan3A_94, %eq3A_95 : i32
      %eq3A_97 = arith.constant 0 : i32
      %eq3A_98 = arith.cmpi eq, %scan3A_94, %eq3A_97 : i32
      %add3A_99 = arith.constant 0 : i32
      %add3A_100 = arith.addi %add3A_99, %mul3A_6 : i32
      %select_n3A_101 = arith.constant true
      %select_n3A_102 = arith.constant 0 : i32
      %select_n3A_103 = arith.constant -1 : i32
      %select_n3A_104 = arith.select %select_n3A_101, %select_n3A_103, %select_n3A_102 : i32
      %eq3A_105 = arith.constant -1 : i32
      %eq3A_106 = arith.cmpi eq, %select_n3A_104, %eq3A_105 : i32
      %select_n3A_107 = arith.constant 0 : i32
      %select_n3A_108 = arith.select %eq3A_106, %select_n3A_107, %select_n3A_104 : i32
      %add3A_109 = arith.constant 0 : i32
      %add3A_110 = arith.addi %add3A_109, %mul3A_6 : i32
      %select_n3A_111 = arith.constant true
      %select_n3A_112 = arith.constant 0 : i32
      %select_n3A_113 = arith.constant 1 : i32
      %select_n3A_114 = arith.select %select_n3A_111, %select_n3A_113, %select_n3A_112 : i32
      %eq3A_115 = arith.constant 1 : i32
      %eq3A_116 = arith.cmpi eq, %select_n3A_114, %eq3A_115 : i32
      %select_n3A_117 = arith.constant 0 : i32
      %select_n3A_118 = arith.select %eq3A_116, %select_n3A_117, %select_n3A_114 : i32
      %add3A_119 = arith.constant 0 : i32
      %add3A_120 = arith.addi %add3A_119, %mul3A_6 : i32
      %select_n3A_121 = arith.constant true
      %select_n3A_122 = arith.constant 0 : i32
      %select_n3A_123 = arith.constant 1 : i32
      %select_n3A_124 = arith.select %select_n3A_121, %select_n3A_123, %select_n3A_122 : i32
      %eq3A_125 = arith.constant 1 : i32
      %eq3A_126 = arith.cmpi eq, %select_n3A_124, %eq3A_125 : i32
      %select_n3A_127 = arith.constant 0 : i32
      %select_n3A_128 = arith.select %eq3A_126, %select_n3A_127, %select_n3A_124 : i32
      %add3A_129 = arith.constant 0 : i32
      %add3A_130 = arith.addi %add3A_129, %mul3A_6 : i32
      %ne3A = arith.cmpi ne, %add3A_100, %add3A_120 : i32
      %or3A = arith.constant false
      %or3A_131 = arith.ori %or3A, %ne3A : i1
      %ge3A = arith.constant 0 : i32
      %ge3A_132 = arith.cmpi sge, %scan3A_94, %ge3A : i32
      %not3A = arith.constant true
      %not3A_133 = arith.xori %ge3A_132, %not3A : i1
      %and3A = arith.andi %or3A_131, %not3A_133 : i1
      %convert_element_type3A = arith.extui %and3A : i1 to i32
      %cond3A = arith.constant 0 : i32
      %cond3A_134 = arith.cmpi ne, %convert_element_type3A, %cond3A : i32
      scf.if %cond3A_134 {
        "tpu.trace_start"() <{level = 10 : i32, message = "ep_copy_in"}> : () -> ()
        %rem3A_347 = arith.constant 2 : i32
        %rem3A_348 = arith.remui %select_n3A_64, %rem3A_347 : i32
        %mul3A_349 = arith.constant 128 : i32
        %mul3A_350 = arith.muli %mul3A_349, %add3A_120 : i32
        %dma_start3A_351 = arith.constant 0 : i32
        %dma_start3A_352 = arith.constant 0 : i32
        %dma_start3A_353 = tpu.memref_slice %run_scoped3A[%rem3A_348, %dma_start3A_351, %dma_start3A_352] : memref<2x1x128xi32, #tpu.memory_space<vmem>> -> memref<1x1x128xi32, #tpu.memory_space<vmem>>
        %dma_start3A_354 = tpu.memref_squeeze %dma_start3A_353 : memref<1x1x128xi32, #tpu.memory_space<vmem>> -> memref<1x128xi32, #tpu.memory_space<vmem>>
        %dma_start3A_355 = arith.constant 0 : i32
        %dma_start3A_356 = tpu.memref_slice %arg3[%dma_start3A_355, %mul3A_350] : memref<1x4096xi32, #tpu.memory_space<hbm>> -> memref<1x128xi32, #tpu.memory_space<hbm>>
        %dma_start3A_357 = tpu.memref_slice %run_scoped3A_7[%rem3A_348] : memref<2x!tpu.dma_semaphore, #tpu.memory_space<semaphore_mem>> -> memref<1x!tpu.dma_semaphore, #tpu.memory_space<semaphore_mem>>
        %dma_start3A_358 = tpu.memref_squeeze %dma_start3A_357 : memref<1x!tpu.dma_semaphore, #tpu.memory_space<semaphore_mem>> -> memref<!tpu.dma_semaphore, #tpu.memory_space<semaphore_mem>>
        %dma_start3A_359 = arith.constant 0 : i32
        %dma_start3A_360 = arith.constant 0 : i32
        %dma_start3A_361 = tpu.memref_slice %run_scoped3A[%rem3A_348, %dma_start3A_359, %dma_start3A_360] : memref<2x1x128xi32, #tpu.memory_space<vmem>> -> memref<1x1x128xi32, #tpu.memory_space<vmem>>
        %dma_start3A_362 = tpu.memref_squeeze %dma_start3A_361 : memref<1x1x128xi32, #tpu.memory_space<vmem>> -> memref<1x128xi32, #tpu.memory_space<vmem>>
        %dma_start3A_363 = arith.constant 0 : i32
        %dma_start3A_364 = tpu.memref_slice %arg3[%dma_start3A_363, %mul3A_350] : memref<1x4096xi32, #tpu.memory_space<hbm>> -> memref<1x128xi32, #tpu.memory_space<hbm>>
        tpu.enqueue_dma source(%dma_start3A_364 : memref<1x128xi32, #tpu.memory_space<hbm>>) target(%dma_start3A_362 : memref<1x128xi32, #tpu.memory_space<vmem>>) target_semaphore(%dma_start3A_358 : memref<!tpu.dma_semaphore, #tpu.memory_space<semaphore_mem>>)
        "tpu.trace_stop"() : () -> ()
      } else {
      }
      %and3A_135 = arith.constant true
      %and3A_136 = arith.andi %and3A, %and3A_135 : i1
      %add3A_137 = arith.constant 1 : i32
      %add3A_138 = arith.addi %select_n3A_64, %add3A_137 : i32
      %select_n3A_139 = arith.select %and3A_136, %add3A_138, %select_n3A_64 : i32
      %ne3A_140 = arith.cmpi ne, %add3A_100, %add3A_120 : i32
      %or3A_141 = arith.constant false
      %or3A_142 = arith.ori %or3A_141, %ne3A_140 : i1
      %ge3A_143 = arith.constant 0 : i32
      %ge3A_144 = arith.cmpi sge, %scan3A_94, %ge3A_143 : i32
      %not3A_145 = arith.constant true
      %not3A_146 = arith.xori %ge3A_144, %not3A_145 : i1
      %and3A_147 = arith.andi %or3A_142, %not3A_146 : i1
      %convert_element_type3A_148 = arith.extui %and3A_147 : i1 to i32
      %cond3A_149 = arith.constant 0 : i32
      %cond3A_150 = arith.cmpi ne, %convert_element_type3A_148, %cond3A_149 : i32
      scf.if %cond3A_150 {
        "tpu.trace_start"() <{level = 10 : i32, message = "ep_copy_in"}> : () -> ()
        %rem3A_347 = arith.constant 2 : i32
        %rem3A_348 = arith.remui %select_n3A_89, %rem3A_347 : i32
        %mul3A_349 = arith.constant 128 : i32
        %mul3A_350 = arith.muli %mul3A_349, %add3A_120 : i32
        %dma_start3A_351 = arith.constant 0 : i32
        %dma_start3A_352 = arith.constant 0 : i32
        %dma_start3A_353 = tpu.memref_slice %run_scoped3A_8[%rem3A_348, %dma_start3A_351, %dma_start3A_352] : memref<2x1x128xi32, #tpu.memory_space<vmem>> -> memref<1x1x128xi32, #tpu.memory_space<vmem>>
        %dma_start3A_354 = tpu.memref_squeeze %dma_start3A_353 : memref<1x1x128xi32, #tpu.memory_space<vmem>> -> memref<1x128xi32, #tpu.memory_space<vmem>>
        %dma_start3A_355 = arith.constant 0 : i32
        %dma_start3A_356 = tpu.memref_slice %arg4[%dma_start3A_355, %mul3A_350] : memref<1x4096xi32, #tpu.memory_space<hbm>> -> memref<1x128xi32, #tpu.memory_space<hbm>>
        %dma_start3A_357 = tpu.memref_slice %run_scoped3A_9[%rem3A_348] : memref<2x!tpu.dma_semaphore, #tpu.memory_space<semaphore_mem>> -> memref<1x!tpu.dma_semaphore, #tpu.memory_space<semaphore_mem>>
        %dma_start3A_358 = tpu.memref_squeeze %dma_start3A_357 : memref<1x!tpu.dma_semaphore, #tpu.memory_space<semaphore_mem>> -> memref<!tpu.dma_semaphore, #tpu.memory_space<semaphore_mem>>
        %dma_start3A_359 = arith.constant 0 : i32
        %dma_start3A_360 = arith.constant 0 : i32
        %dma_start3A_361 = tpu.memref_slice %run_scoped3A_8[%rem3A_348, %dma_start3A_359, %dma_start3A_360] : memref<2x1x128xi32, #tpu.memory_space<vmem>> -> memref<1x1x128xi32, #tpu.memory_space<vmem>>
        %dma_start3A_362 = tpu.memref_squeeze %dma_start3A_361 : memref<1x1x128xi32, #tpu.memory_space<vmem>> -> memref<1x128xi32, #tpu.memory_space<vmem>>
        %dma_start3A_363 = arith.constant 0 : i32
        %dma_start3A_364 = tpu.memref_slice %arg4[%dma_start3A_363, %mul3A_350] : memref<1x4096xi32, #tpu.memory_space<hbm>> -> memref<1x128xi32, #tpu.memory_space<hbm>>
        tpu.enqueue_dma source(%dma_start3A_364 : memref<1x128xi32, #tpu.memory_space<hbm>>) target(%dma_start3A_362 : memref<1x128xi32, #tpu.memory_space<vmem>>) target_semaphore(%dma_start3A_358 : memref<!tpu.dma_semaphore, #tpu.memory_space<semaphore_mem>>)
        "tpu.trace_stop"() : () -> ()
      } else {
      }
      %and3A_151 = arith.constant true
      %and3A_152 = arith.andi %and3A_147, %and3A_151 : i1
      %add3A_153 = arith.constant 1 : i32
      %add3A_154 = arith.addi %select_n3A_89, %add3A_153 : i32
      %select_n3A_155 = arith.select %and3A_152, %add3A_154, %select_n3A_89 : i32
      %ne3A_156 = arith.cmpi ne, %add3A_100, %add3A_120 : i32
      %or3A_157 = arith.constant false
      %or3A_158 = arith.ori %or3A_157, %ne3A_156 : i1
      %or3A_159 = arith.constant false
      %or3A_160 = arith.ori %or3A_158, %or3A_159 : i1
      %ge3A_161 = arith.constant 0 : i32
      %ge3A_162 = arith.cmpi sge, %scan3A_94, %ge3A_161 : i32
      %not3A_163 = arith.constant true
      %not3A_164 = arith.xori %ge3A_162, %not3A_163 : i1
      %and3A_165 = arith.andi %or3A_160, %not3A_164 : i1
      %ne3A_166 = arith.cmpi ne, %add3A_100, %add3A_110 : i32
      %or3A_167 = arith.constant false
      %or3A_168 = arith.ori %or3A_167, %ne3A_166 : i1
      %or3A_169 = arith.ori %or3A_168, %eq3A_96 : i1
      %convert_element_type3A_170 = arith.extui %or3A_169 : i1 to i32
      %cond3A_171 = arith.constant 0 : i32
      %cond3A_172 = arith.cmpi ne, %convert_element_type3A_170, %cond3A_171 : i32
      scf.if %cond3A_172 {
        "tpu.trace_start"() <{level = 10 : i32, message = "ep_wait_in"}> : () -> ()
        %mul3A_347 = arith.constant 128 : i32
        %mul3A_348 = arith.muli %mul3A_347, %add3A_100 : i32
        %rem3A_349 = arith.constant 2 : i32
        %rem3A_350 = arith.remui %scan3A, %rem3A_349 : i32
        %dma_wait3A_351 = arith.constant 0 : i32
        %dma_wait3A_352 = arith.constant 0 : i32
        %dma_wait3A_353 = tpu.memref_slice %run_scoped3A[%rem3A_350, %dma_wait3A_351, %dma_wait3A_352] : memref<2x1x128xi32, #tpu.memory_space<vmem>> -> memref<1x1x128xi32, #tpu.memory_space<vmem>>
        %dma_wait3A_354 = tpu.memref_squeeze %dma_wait3A_353 : memref<1x1x128xi32, #tpu.memory_space<vmem>> -> memref<1x128xi32, #tpu.memory_space<vmem>>
        %dma_wait3A_355 = arith.constant 0 : i32
        %dma_wait3A_356 = tpu.memref_slice %arg3[%dma_wait3A_355, %mul3A_348] : memref<1x4096xi32, #tpu.memory_space<hbm>> -> memref<1x128xi32, #tpu.memory_space<hbm>>
        %dma_wait3A_357 = tpu.memref_slice %run_scoped3A_7[%rem3A_350] : memref<2x!tpu.dma_semaphore, #tpu.memory_space<semaphore_mem>> -> memref<1x!tpu.dma_semaphore, #tpu.memory_space<semaphore_mem>>
        %dma_wait3A_358 = tpu.memref_squeeze %dma_wait3A_357 : memref<1x!tpu.dma_semaphore, #tpu.memory_space<semaphore_mem>> -> memref<!tpu.dma_semaphore, #tpu.memory_space<semaphore_mem>>
        %dma_wait3A_359 = arith.constant 0 : i32
        %dma_wait3A_360 = arith.constant 0 : i32
        %dma_wait3A_361 = tpu.memref_slice %run_scoped3A[%rem3A_350, %dma_wait3A_359, %dma_wait3A_360] : memref<2x1x128xi32, #tpu.memory_space<vmem>> -> memref<1x1x128xi32, #tpu.memory_space<vmem>>
        %dma_wait3A_362 = tpu.memref_squeeze %dma_wait3A_361 : memref<1x1x128xi32, #tpu.memory_space<vmem>> -> memref<1x128xi32, #tpu.memory_space<vmem>>
        %dma_wait3A_363 = arith.constant 0 : i32
        %dma_wait3A_364 = tpu.memref_slice %arg3[%dma_wait3A_363, %mul3A_348] : memref<1x4096xi32, #tpu.memory_space<hbm>> -> memref<1x128xi32, #tpu.memory_space<hbm>>
        tpu.wait_dma2 semaphore(%dma_wait3A_358 : memref<!tpu.dma_semaphore, #tpu.memory_space<semaphore_mem>>) src(%dma_wait3A_364 : memref<1x128xi32, #tpu.memory_space<hbm>>) dst(%dma_wait3A_362 : memref<1x128xi32, #tpu.memory_space<vmem>>)
        "tpu.trace_stop"() : () -> ()
      } else {
      }
      %ne3A_173 = arith.cmpi ne, %add3A_100, %add3A_110 : i32
      %or3A_174 = arith.constant false
      %or3A_175 = arith.ori %or3A_174, %ne3A_173 : i1
      %or3A_176 = arith.ori %or3A_175, %eq3A_96 : i1
      %convert_element_type3A_177 = arith.extui %or3A_176 : i1 to i32
      %cond3A_178 = arith.constant 0 : i32
      %cond3A_179 = arith.cmpi ne, %convert_element_type3A_177, %cond3A_178 : i32
      scf.if %cond3A_179 {
        "tpu.trace_start"() <{level = 10 : i32, message = "ep_wait_in"}> : () -> ()
        %mul3A_347 = arith.constant 128 : i32
        %mul3A_348 = arith.muli %mul3A_347, %add3A_100 : i32
        %rem3A_349 = arith.constant 2 : i32
        %rem3A_350 = arith.remui %scan3A_90, %rem3A_349 : i32
        %dma_wait3A_351 = arith.constant 0 : i32
        %dma_wait3A_352 = arith.constant 0 : i32
        %dma_wait3A_353 = tpu.memref_slice %run_scoped3A_8[%rem3A_350, %dma_wait3A_351, %dma_wait3A_352] : memref<2x1x128xi32, #tpu.memory_space<vmem>> -> memref<1x1x128xi32, #tpu.memory_space<vmem>>
        %dma_wait3A_354 = tpu.memref_squeeze %dma_wait3A_353 : memref<1x1x128xi32, #tpu.memory_space<vmem>> -> memref<1x128xi32, #tpu.memory_space<vmem>>
        %dma_wait3A_355 = arith.constant 0 : i32
        %dma_wait3A_356 = tpu.memref_slice %arg4[%dma_wait3A_355, %mul3A_348] : memref<1x4096xi32, #tpu.memory_space<hbm>> -> memref<1x128xi32, #tpu.memory_space<hbm>>
        %dma_wait3A_357 = tpu.memref_slice %run_scoped3A_9[%rem3A_350] : memref<2x!tpu.dma_semaphore, #tpu.memory_space<semaphore_mem>> -> memref<1x!tpu.dma_semaphore, #tpu.memory_space<semaphore_mem>>
        %dma_wait3A_358 = tpu.memref_squeeze %dma_wait3A_357 : memref<1x!tpu.dma_semaphore, #tpu.memory_space<semaphore_mem>> -> memref<!tpu.dma_semaphore, #tpu.memory_space<semaphore_mem>>
        %dma_wait3A_359 = arith.constant 0 : i32
        %dma_wait3A_360 = arith.constant 0 : i32
        %dma_wait3A_361 = tpu.memref_slice %run_scoped3A_8[%rem3A_350, %dma_wait3A_359, %dma_wait3A_360] : memref<2x1x128xi32, #tpu.memory_space<vmem>> -> memref<1x1x128xi32, #tpu.memory_space<vmem>>
        %dma_wait3A_362 = tpu.memref_squeeze %dma_wait3A_361 : memref<1x1x128xi32, #tpu.memory_space<vmem>> -> memref<1x128xi32, #tpu.memory_space<vmem>>
        %dma_wait3A_363 = arith.constant 0 : i32
        %dma_wait3A_364 = tpu.memref_slice %arg4[%dma_wait3A_363, %mul3A_348] : memref<1x4096xi32, #tpu.memory_space<hbm>> -> memref<1x128xi32, #tpu.memory_space<hbm>>
        tpu.wait_dma2 semaphore(%dma_wait3A_358 : memref<!tpu.dma_semaphore, #tpu.memory_space<semaphore_mem>>) src(%dma_wait3A_364 : memref<1x128xi32, #tpu.memory_space<hbm>>) dst(%dma_wait3A_362 : memref<1x128xi32, #tpu.memory_space<vmem>>)
        "tpu.trace_stop"() : () -> ()
      } else {
      }
      %ne3A_180 = arith.cmpi ne, %add3A_100, %add3A_110 : i32
      %or3A_181 = arith.constant false
      %or3A_182 = arith.ori %or3A_181, %ne3A_180 : i1
      %or3A_183 = arith.constant false
      %or3A_184 = arith.ori %or3A_182, %or3A_183 : i1
      %or3A_185 = arith.ori %or3A_184, %eq3A_96 : i1
      %convert_element_type3A_186 = arith.extui %or3A_185 : i1 to i32
      %cond3A_187 = arith.constant 0 : i32
      %cond3A_188 = arith.cmpi ne, %convert_element_type3A_186, %cond3A_187 : i32
      scf.if %cond3A_188 {
      } else {
      }
      %rem3A_189 = arith.constant 2 : i32
      %rem3A_190 = arith.remui %scan3A, %rem3A_189 : i32
      %rem3A_191 = arith.constant 2 : i32
      %rem3A_192 = arith.remui %scan3A_90, %rem3A_191 : i32
      %rem3A_193 = arith.constant 2 : i32
      %rem3A_194 = arith.remui %scan3A_91, %rem3A_193 : i32
      %run_scoped3A_195 = arith.constant 0 : i32
      "tpu.trace_start"() <{level = 10 : i32, message = "ep_run_kernel"}> : () -> ()
      "tpu.region"() ({
        %run_scoped3A_347 = tpu.sem_alloc : memref<!tpu.dma_semaphore, #tpu.memory_space<semaphore_mem>>
        %dma_start3A_348 = arith.constant 0 : i32
        %dma_start3A_349 = arith.constant 0 : i32
        %dma_start3A_350 = tpu.memref_slice %run_scoped3A_10[%rem3A_194, %dma_start3A_348, %dma_start3A_349] : memref<2x128x256xf32, #tpu.memory_space<vmem>> -> memref<1x128x256xf32, #tpu.memory_space<vmem>>
        %dma_start3A_351 = tpu.memref_squeeze %dma_start3A_350 : memref<1x128x256xf32, #tpu.memory_space<vmem>> -> memref<128x256xf32, #tpu.memory_space<vmem>>
        %dma_start3A_352 = arith.constant 0 : i32
        %dma_start3A_353 = arith.constant 0 : i32
        %dma_start3A_354 = tpu.memref_slice %dma_start3A_351[%dma_start3A_352, %dma_start3A_353] : memref<128x256xf32, #tpu.memory_space<vmem>> -> memref<128x128xf32, #tpu.memory_space<vmem>>
        %dma_start3A_355 = arith.constant 0 : i32
        %dma_start3A_356 = arith.constant 0 : i32
        %dma_start3A_357 = tpu.memref_slice %run_scoped3A[%rem3A_190, %dma_start3A_355, %dma_start3A_356] : memref<2x1x128xi32, #tpu.memory_space<vmem>> -> memref<1x1x128xi32, #tpu.memory_space<vmem>>
        %dma_start3A_358 = tpu.memref_squeeze %dma_start3A_357 : memref<1x1x128xi32, #tpu.memory_space<vmem>> -> memref<1x128xi32, #tpu.memory_space<vmem>>
        %dma_start3A_359 = arith.constant 0 : i32
        %dma_start3A_360 = tpu.memref_slice %dma_start3A_358[%run_scoped3A_195, %dma_start3A_359] : memref<1x128xi32, #tpu.memory_space<vmem>> -> memref<1x128xi32, #tpu.memory_space<vmem>>
        %dma_start3A_361 = tpu.memref_squeeze %dma_start3A_360 : memref<1x128xi32, #tpu.memory_space<vmem>> -> memref<128xi32, #tpu.memory_space<vmem>>
        %dma_start3A_362 = arith.constant 0 : i32
        %dma_start3A_363 = arith.constant 0 : i32
        %dma_start3A_364 = tpu.memref_slice %arg2[%dma_start3A_362, %dma_start3A_363] : memref<640x128xf32, #tpu.memory_space<hbm>> -> memref<640x128xf32, #tpu.memory_space<hbm>>
        tpu.enqueue_indirect_dma source(%dma_start3A_364 : memref<640x128xf32, #tpu.memory_space<hbm>>) target(%dma_start3A_354 : memref<128x128xf32, #tpu.memory_space<vmem>>) offsets(%dma_start3A_361 : memref<128xi32, #tpu.memory_space<vmem>>) semaphore(%run_scoped3A_347 : memref<!tpu.dma_semaphore, #tpu.memory_space<semaphore_mem>>)
        %dma_wait3A_365 = arith.constant 0 : i32
        %dma_wait3A_366 = arith.constant 0 : i32
        %dma_wait3A_367 = tpu.memref_slice %run_scoped3A_10[%rem3A_194, %dma_wait3A_365, %dma_wait3A_366] : memref<2x128x256xf32, #tpu.memory_space<vmem>> -> memref<1x128x256xf32, #tpu.memory_space<vmem>>
        %dma_wait3A_368 = tpu.memref_squeeze %dma_wait3A_367 : memref<1x128x256xf32, #tpu.memory_space<vmem>> -> memref<128x256xf32, #tpu.memory_space<vmem>>
        %dma_wait3A_369 = arith.constant 0 : i32
        %dma_wait3A_370 = arith.constant 0 : i32
        %dma_wait3A_371 = tpu.memref_slice %dma_wait3A_368[%dma_wait3A_369, %dma_wait3A_370] : memref<128x256xf32, #tpu.memory_space<vmem>> -> memref<128x128xf32, #tpu.memory_space<vmem>>
        %dma_wait3A_372 = arith.constant 0 : i32
        %dma_wait3A_373 = arith.constant 0 : i32
        %dma_wait3A_374 = tpu.memref_slice %run_scoped3A[%rem3A_190, %dma_wait3A_372, %dma_wait3A_373] : memref<2x1x128xi32, #tpu.memory_space<vmem>> -> memref<1x1x128xi32, #tpu.memory_space<vmem>>
        %dma_wait3A_375 = tpu.memref_squeeze %dma_wait3A_374 : memref<1x1x128xi32, #tpu.memory_space<vmem>> -> memref<1x128xi32, #tpu.memory_space<vmem>>
        %dma_wait3A_376 = arith.constant 0 : i32
        %dma_wait3A_377 = tpu.memref_slice %dma_wait3A_375[%run_scoped3A_195, %dma_wait3A_376] : memref<1x128xi32, #tpu.memory_space<vmem>> -> memref<1x128xi32, #tpu.memory_space<vmem>>
        %dma_wait3A_378 = tpu.memref_squeeze %dma_wait3A_377 : memref<1x128xi32, #tpu.memory_space<vmem>> -> memref<128xi32, #tpu.memory_space<vmem>>
        %dma_wait3A_379 = arith.constant 0 : i32
        %dma_wait3A_380 = arith.constant 0 : i32
        %dma_wait3A_381 = tpu.memref_slice %arg2[%dma_wait3A_379, %dma_wait3A_380] : memref<640x128xf32, #tpu.memory_space<hbm>> -> memref<640x128xf32, #tpu.memory_space<hbm>>
        tpu.wait_indirect_dma semaphore(%run_scoped3A_347 : memref<!tpu.dma_semaphore, #tpu.memory_space<semaphore_mem>>) src(%dma_wait3A_381 : memref<640x128xf32, #tpu.memory_space<hbm>>) dst(%dma_wait3A_371 : memref<128x128xf32, #tpu.memory_space<vmem>>)
        tpu.yield
      }) : () -> ()
      %run_scoped3A_196 = arith.constant 0 : i32
      "tpu.region"() ({
        %run_scoped3A_347 = tpu.sem_alloc : memref<!tpu.dma_semaphore, #tpu.memory_space<semaphore_mem>>
        %dma_start3A_348 = arith.constant 0 : i32
        %dma_start3A_349 = arith.constant 0 : i32
        %dma_start3A_350 = tpu.memref_slice %run_scoped3A_10[%rem3A_194, %dma_start3A_348, %dma_start3A_349] : memref<2x128x256xf32, #tpu.memory_space<vmem>> -> memref<1x128x256xf32, #tpu.memory_space<vmem>>
        %dma_start3A_351 = tpu.memref_squeeze %dma_start3A_350 : memref<1x128x256xf32, #tpu.memory_space<vmem>> -> memref<128x256xf32, #tpu.memory_space<vmem>>
        %dma_start3A_352 = arith.constant 0 : i32
        %dma_start3A_353 = arith.constant 128 : i32
        %dma_start3A_354 = tpu.memref_slice %dma_start3A_351[%dma_start3A_352, %dma_start3A_353] : memref<128x256xf32, #tpu.memory_space<vmem>> -> memref<128x128xf32, #tpu.memory_space<vmem>>
        %dma_start3A_355 = arith.constant 0 : i32
        %dma_start3A_356 = arith.constant 0 : i32
        %dma_start3A_357 = tpu.memref_slice %run_scoped3A_8[%rem3A_192, %dma_start3A_355, %dma_start3A_356] : memref<2x1x128xi32, #tpu.memory_space<vmem>> -> memref<1x1x128xi32, #tpu.memory_space<vmem>>
        %dma_start3A_358 = tpu.memref_squeeze %dma_start3A_357 : memref<1x1x128xi32, #tpu.memory_space<vmem>> -> memref<1x128xi32, #tpu.memory_space<vmem>>
        %dma_start3A_359 = arith.constant 0 : i32
        %dma_start3A_360 = tpu.memref_slice %dma_start3A_358[%run_scoped3A_196, %dma_start3A_359] : memref<1x128xi32, #tpu.memory_space<vmem>> -> memref<1x128xi32, #tpu.memory_space<vmem>>
        %dma_start3A_361 = tpu.memref_squeeze %dma_start3A_360 : memref<1x128xi32, #tpu.memory_space<vmem>> -> memref<128xi32, #tpu.memory_space<vmem>>
        %dma_start3A_362 = arith.constant 0 : i32
        %dma_start3A_363 = arith.constant 0 : i32
        %dma_start3A_364 = tpu.memref_slice %arg2[%dma_start3A_362, %dma_start3A_363] : memref<640x128xf32, #tpu.memory_space<hbm>> -> memref<640x128xf32, #tpu.memory_space<hbm>>
        tpu.enqueue_indirect_dma source(%dma_start3A_364 : memref<640x128xf32, #tpu.memory_space<hbm>>) target(%dma_start3A_354 : memref<128x128xf32, #tpu.memory_space<vmem>>) offsets(%dma_start3A_361 : memref<128xi32, #tpu.memory_space<vmem>>) semaphore(%run_scoped3A_347 : memref<!tpu.dma_semaphore, #tpu.memory_space<semaphore_mem>>)
        %dma_wait3A_365 = arith.constant 0 : i32
        %dma_wait3A_366 = arith.constant 0 : i32
        %dma_wait3A_367 = tpu.memref_slice %run_scoped3A_10[%rem3A_194, %dma_wait3A_365, %dma_wait3A_366] : memref<2x128x256xf32, #tpu.memory_space<vmem>> -> memref<1x128x256xf32, #tpu.memory_space<vmem>>
        %dma_wait3A_368 = tpu.memref_squeeze %dma_wait3A_367 : memref<1x128x256xf32, #tpu.memory_space<vmem>> -> memref<128x256xf32, #tpu.memory_space<vmem>>
        %dma_wait3A_369 = arith.constant 0 : i32
        %dma_wait3A_370 = arith.constant 128 : i32
        %dma_wait3A_371 = tpu.memref_slice %dma_wait3A_368[%dma_wait3A_369, %dma_wait3A_370] : memref<128x256xf32, #tpu.memory_space<vmem>> -> memref<128x128xf32, #tpu.memory_space<vmem>>
        %dma_wait3A_372 = arith.constant 0 : i32
        %dma_wait3A_373 = arith.constant 0 : i32
        %dma_wait3A_374 = tpu.memref_slice %run_scoped3A_8[%rem3A_192, %dma_wait3A_372, %dma_wait3A_373] : memref<2x1x128xi32, #tpu.memory_space<vmem>> -> memref<1x1x128xi32, #tpu.memory_space<vmem>>
        %dma_wait3A_375 = tpu.memref_squeeze %dma_wait3A_374 : memref<1x1x128xi32, #tpu.memory_space<vmem>> -> memref<1x128xi32, #tpu.memory_space<vmem>>
        %dma_wait3A_376 = arith.constant 0 : i32
        %dma_wait3A_377 = tpu.memref_slice %dma_wait3A_375[%run_scoped3A_196, %dma_wait3A_376] : memref<1x128xi32, #tpu.memory_space<vmem>> -> memref<1x128xi32, #tpu.memory_space<vmem>>
        %dma_wait3A_378 = tpu.memref_squeeze %dma_wait3A_377 : memref<1x128xi32, #tpu.memory_space<vmem>> -> memref<128xi32, #tpu.memory_space<vmem>>
        %dma_wait3A_379 = arith.constant 0 : i32
        %dma_wait3A_380 = arith.constant 0 : i32
        %dma_wait3A_381 = tpu.memref_slice %arg2[%dma_wait3A_379, %dma_wait3A_380] : memref<640x128xf32, #tpu.memory_space<hbm>> -> memref<640x128xf32, #tpu.memory_space<hbm>>
        tpu.wait_indirect_dma semaphore(%run_scoped3A_347 : memref<!tpu.dma_semaphore, #tpu.memory_space<semaphore_mem>>) src(%dma_wait3A_381 : memref<640x128xf32, #tpu.memory_space<hbm>>) dst(%dma_wait3A_371 : memref<128x128xf32, #tpu.memory_space<vmem>>)
        tpu.yield
      }) : () -> ()
      "tpu.trace_stop"() : () -> ()
      %ne3A_197 = arith.cmpi ne, %add3A_100, %add3A_120 : i32
      %or3A_198 = arith.constant false
      %or3A_199 = arith.ori %or3A_198, %ne3A_197 : i1
      %or3A_200 = arith.ori %or3A_199, %eq3A_98 : i1
      %convert_element_type3A_201 = arith.extui %or3A_200 : i1 to i32
      %cond3A_202 = arith.constant 0 : i32
      %cond3A_203 = arith.cmpi ne, %convert_element_type3A_201, %cond3A_202 : i32
      scf.if %cond3A_203 {
      } else {
      }
      %and3A_204 = arith.constant false
      %and3A_205 = arith.andi %or3A_200, %and3A_204 : i1
      %ne3A_206 = arith.cmpi ne, %add3A_100, %add3A_120 : i32
      %or3A_207 = arith.constant false
      %or3A_208 = arith.ori %or3A_207, %ne3A_206 : i1
      %or3A_209 = arith.ori %or3A_208, %eq3A_98 : i1
      %convert_element_type3A_210 = arith.extui %or3A_209 : i1 to i32
      %cond3A_211 = arith.constant 0 : i32
      %cond3A_212 = arith.cmpi ne, %convert_element_type3A_210, %cond3A_211 : i32
      scf.if %cond3A_212 {
      } else {
      }
      %and3A_213 = arith.constant false
      %and3A_214 = arith.andi %or3A_209, %and3A_213 : i1
      %ne3A_215 = arith.cmpi ne, %add3A_100, %add3A_120 : i32
      %or3A_216 = arith.constant false
      %or3A_217 = arith.ori %or3A_216, %ne3A_215 : i1
      %or3A_218 = arith.constant false
      %or3A_219 = arith.ori %or3A_217, %or3A_218 : i1
      %or3A_220 = arith.ori %or3A_219, %eq3A_98 : i1
      %convert_element_type3A_221 = arith.extui %or3A_220 : i1 to i32
      %cond3A_222 = arith.constant 0 : i32
      %cond3A_223 = arith.cmpi ne, %convert_element_type3A_221, %cond3A_222 : i32
      scf.if %cond3A_223 {
        "tpu.trace_start"() <{level = 10 : i32, message = "ep_copy_out"}> : () -> ()
        %rem3A_347 = arith.constant 2 : i32
        %rem3A_348 = arith.remui %scan3A_91, %rem3A_347 : i32
        %mul3A_349 = arith.constant 128 : i32
        %mul3A_350 = arith.muli %mul3A_349, %add3A_100 : i32
        %dma_start3A_351 = arith.constant 0 : i32
        %dma_start3A_352 = arith.constant 0 : i32
        %dma_start3A_353 = tpu.memref_slice %run_scoped3A_10[%rem3A_348, %dma_start3A_351, %dma_start3A_352] : memref<2x128x256xf32, #tpu.memory_space<vmem>> -> memref<1x128x256xf32, #tpu.memory_space<vmem>>
        %dma_start3A_354 = tpu.memref_squeeze %dma_start3A_353 : memref<1x128x256xf32, #tpu.memory_space<vmem>> -> memref<128x256xf32, #tpu.memory_space<vmem>>
        %dma_start3A_355 = arith.constant 0 : i32
        %dma_start3A_356 = tpu.memref_slice %arg5[%mul3A_350, %dma_start3A_355] : memref<4096x256xf32, #tpu.memory_space<hbm>> -> memref<128x256xf32, #tpu.memory_space<hbm>>
        %dma_start3A_357 = tpu.memref_slice %run_scoped3A_11[%rem3A_348] : memref<2x!tpu.dma_semaphore, #tpu.memory_space<semaphore_mem>> -> memref<1x!tpu.dma_semaphore, #tpu.memory_space<semaphore_mem>>
        %dma_start3A_358 = tpu.memref_squeeze %dma_start3A_357 : memref<1x!tpu.dma_semaphore, #tpu.memory_space<semaphore_mem>> -> memref<!tpu.dma_semaphore, #tpu.memory_space<semaphore_mem>>
        %dma_start3A_359 = arith.constant 0 : i32
        %dma_start3A_360 = tpu.memref_slice %arg5[%mul3A_350, %dma_start3A_359] : memref<4096x256xf32, #tpu.memory_space<hbm>> -> memref<128x256xf32, #tpu.memory_space<hbm>>
        %dma_start3A_361 = arith.constant 0 : i32
        %dma_start3A_362 = arith.constant 0 : i32
        %dma_start3A_363 = tpu.memref_slice %run_scoped3A_10[%rem3A_348, %dma_start3A_361, %dma_start3A_362] : memref<2x128x256xf32, #tpu.memory_space<vmem>> -> memref<1x128x256xf32, #tpu.memory_space<vmem>>
        %dma_start3A_364 = tpu.memref_squeeze %dma_start3A_363 : memref<1x128x256xf32, #tpu.memory_space<vmem>> -> memref<128x256xf32, #tpu.memory_space<vmem>>
        tpu.enqueue_dma source(%dma_start3A_364 : memref<128x256xf32, #tpu.memory_space<vmem>>) target(%dma_start3A_360 : memref<128x256xf32, #tpu.memory_space<hbm>>) target_semaphore(%dma_start3A_358 : memref<!tpu.dma_semaphore, #tpu.memory_space<semaphore_mem>>)
        "tpu.trace_stop"() : () -> ()
      } else {
      }
      %and3A_224 = arith.constant true
      %and3A_225 = arith.andi %or3A_220, %and3A_224 : i1
      %add3A_226 = arith.constant 1 : i32
      %add3A_227 = arith.addi %scan3A_91, %add3A_226 : i32
      %select_n3A_228 = arith.select %and3A_225, %add3A_227, %scan3A_91 : i32
      %ne3A_229 = arith.cmpi ne, %add3A_100, %add3A_110 : i32
      %or3A_230 = arith.constant false
      %or3A_231 = arith.ori %or3A_230, %ne3A_229 : i1
      %not3A_232 = arith.constant true
      %not3A_233 = arith.xori %eq3A_96, %not3A_232 : i1
      %and3A_234 = arith.andi %or3A_231, %not3A_233 : i1
      %convert_element_type3A_235 = arith.extui %and3A_234 : i1 to i32
      %cond3A_236 = arith.constant 0 : i32
      %cond3A_237 = arith.cmpi ne, %convert_element_type3A_235, %cond3A_236 : i32
      scf.if %cond3A_237 {
      } else {
      }
      %and3A_238 = arith.constant false
      %and3A_239 = arith.andi %and3A_234, %and3A_238 : i1
      %ne3A_240 = arith.cmpi ne, %add3A_100, %add3A_110 : i32
      %or3A_241 = arith.constant false
      %or3A_242 = arith.ori %or3A_241, %ne3A_240 : i1
      %not3A_243 = arith.constant true
      %not3A_244 = arith.xori %eq3A_96, %not3A_243 : i1
      %and3A_245 = arith.andi %or3A_242, %not3A_244 : i1
      %convert_element_type3A_246 = arith.extui %and3A_245 : i1 to i32
      %cond3A_247 = arith.constant 0 : i32
      %cond3A_248 = arith.cmpi ne, %convert_element_type3A_246, %cond3A_247 : i32
      scf.if %cond3A_248 {
      } else {
      }
      %and3A_249 = arith.constant false
      %and3A_250 = arith.andi %and3A_245, %and3A_249 : i1
      %ne3A_251 = arith.cmpi ne, %add3A_100, %add3A_110 : i32
      %or3A_252 = arith.constant false
      %or3A_253 = arith.ori %or3A_252, %ne3A_251 : i1
      %or3A_254 = arith.constant false
      %or3A_255 = arith.ori %or3A_253, %or3A_254 : i1
      %not3A_256 = arith.constant true
      %not3A_257 = arith.xori %eq3A_96, %not3A_256 : i1
      %and3A_258 = arith.andi %or3A_255, %not3A_257 : i1
      %convert_element_type3A_259 = arith.extui %and3A_258 : i1 to i32
      %cond3A_260 = arith.constant 0 : i32
      %cond3A_261 = arith.cmpi ne, %convert_element_type3A_259, %cond3A_260 : i32
      scf.if %cond3A_261 {
        "tpu.trace_start"() <{level = 10 : i32, message = "ep_wait_out"}> : () -> ()
        %rem3A_347 = arith.constant 2 : i32
        %rem3A_348 = arith.remui %scan3A_92, %rem3A_347 : i32
        %mul3A_349 = arith.constant 128 : i32
        %mul3A_350 = arith.muli %mul3A_349, %add3A_110 : i32
        %dma_wait3A_351 = arith.constant 0 : i32
        %dma_wait3A_352 = arith.constant 0 : i32
        %dma_wait3A_353 = tpu.memref_slice %run_scoped3A_10[%rem3A_348, %dma_wait3A_351, %dma_wait3A_352] : memref<2x128x256xf32, #tpu.memory_space<vmem>> -> memref<1x128x256xf32, #tpu.memory_space<vmem>>
        %dma_wait3A_354 = tpu.memref_squeeze %dma_wait3A_353 : memref<1x128x256xf32, #tpu.memory_space<vmem>> -> memref<128x256xf32, #tpu.memory_space<vmem>>
        %dma_wait3A_355 = arith.constant 0 : i32
        %dma_wait3A_356 = tpu.memref_slice %arg5[%mul3A_350, %dma_wait3A_355] : memref<4096x256xf32, #tpu.memory_space<hbm>> -> memref<128x256xf32, #tpu.memory_space<hbm>>
        %dma_wait3A_357 = tpu.memref_slice %run_scoped3A_11[%rem3A_348] : memref<2x!tpu.dma_semaphore, #tpu.memory_space<semaphore_mem>> -> memref<1x!tpu.dma_semaphore, #tpu.memory_space<semaphore_mem>>
        %dma_wait3A_358 = tpu.memref_squeeze %dma_wait3A_357 : memref<1x!tpu.dma_semaphore, #tpu.memory_space<semaphore_mem>> -> memref<!tpu.dma_semaphore, #tpu.memory_space<semaphore_mem>>
        %dma_wait3A_359 = arith.constant 0 : i32
        %dma_wait3A_360 = tpu.memref_slice %arg5[%mul3A_350, %dma_wait3A_359] : memref<4096x256xf32, #tpu.memory_space<hbm>> -> memref<128x256xf32, #tpu.memory_space<hbm>>
        %dma_wait3A_361 = arith.constant 0 : i32
        %dma_wait3A_362 = arith.constant 0 : i32
        %dma_wait3A_363 = tpu.memref_slice %run_scoped3A_10[%rem3A_348, %dma_wait3A_361, %dma_wait3A_362] : memref<2x128x256xf32, #tpu.memory_space<vmem>> -> memref<1x128x256xf32, #tpu.memory_space<vmem>>
        %dma_wait3A_364 = tpu.memref_squeeze %dma_wait3A_363 : memref<1x128x256xf32, #tpu.memory_space<vmem>> -> memref<128x256xf32, #tpu.memory_space<vmem>>
        tpu.wait_dma2 semaphore(%dma_wait3A_358 : memref<!tpu.dma_semaphore, #tpu.memory_space<semaphore_mem>>) src(%dma_wait3A_364 : memref<128x256xf32, #tpu.memory_space<vmem>>) dst(%dma_wait3A_360 : memref<128x256xf32, #tpu.memory_space<hbm>>)
        "tpu.trace_stop"() : () -> ()
      } else {
      }
      %and3A_262 = arith.constant true
      %and3A_263 = arith.andi %and3A_258, %and3A_262 : i1
      %add3A_264 = arith.constant 1 : i32
      %add3A_265 = arith.addi %scan3A_92, %add3A_264 : i32
      %select_n3A_266 = arith.select %and3A_263, %add3A_265, %scan3A_92 : i32
      %ne3A_267 = arith.cmpi ne, %add3A_100, %add3A_120 : i32
      %or3A_268 = arith.constant false
      %or3A_269 = arith.ori %or3A_268, %ne3A_267 : i1
      %or3A_270 = arith.ori %or3A_269, %eq3A_98 : i1
      %add3A_271 = arith.constant 1 : i32
      %add3A_272 = arith.addi %scan3A, %add3A_271 : i32
      %select_n3A_273 = arith.select %or3A_270, %add3A_272, %scan3A : i32
      %ne3A_274 = arith.cmpi ne, %add3A_100, %add3A_120 : i32
      %or3A_275 = arith.constant false
      %or3A_276 = arith.ori %or3A_275, %ne3A_274 : i1
      %or3A_277 = arith.ori %or3A_276, %eq3A_98 : i1
      %add3A_278 = arith.constant 1 : i32
      %add3A_279 = arith.addi %scan3A_90, %add3A_278 : i32
      %select_n3A_280 = arith.select %or3A_277, %add3A_279, %scan3A_90 : i32
      %select_n3A_281 = arith.constant true
      %select_n3A_282 = arith.constant 0 : i32
      %select_n3A_283 = arith.constant 1 : i32
      %select_n3A_284 = arith.select %select_n3A_281, %select_n3A_283, %select_n3A_282 : i32
      %eq3A_285 = arith.constant 1 : i32
      %eq3A_286 = arith.cmpi eq, %select_n3A_284, %eq3A_285 : i32
      %select_n3A_287 = arith.constant 0 : i32
      %select_n3A_288 = arith.select %eq3A_286, %select_n3A_287, %select_n3A_284 : i32
      %scan3A_289 = arith.constant 0 : i32
      %scan3A_290 = arith.constant 1 : i32
      %sub3A = arith.constant 1 : i32
      %sub3A_291 = arith.subi %scan3A_289, %sub3A : i32
      %select_n3A_292 = arith.constant true
      %select_n3A_293 = arith.select %select_n3A_292, %sub3A_291, %scan3A_289 : i32
      %eq3A_294 = arith.constant -1 : i32
      %eq3A_295 = arith.cmpi eq, %select_n3A_293, %eq3A_294 : i32
      %select_n3A_296 = arith.constant 0 : i32
      %select_n3A_297 = arith.select %eq3A_295, %select_n3A_296, %select_n3A_293 : i32
      %add3A_298 = arith.constant 0 : i32
      %add3A_299 = arith.addi %add3A_298, %mul3A_6 : i32
      %select_n3A_300 = arith.constant true
      %select_n3A_301 = arith.constant 0 : i32
      %select_n3A_302 = arith.constant -1 : i32
      %select_n3A_303 = arith.select %select_n3A_300, %select_n3A_302, %select_n3A_301 : i32
      %eq3A_304 = arith.constant -1 : i32
      %eq3A_305 = arith.cmpi eq, %select_n3A_303, %eq3A_304 : i32
      %select_n3A_306 = arith.constant 0 : i32
      %select_n3A_307 = arith.select %eq3A_305, %select_n3A_306, %select_n3A_303 : i32
      %add3A_308 = arith.constant 0 : i32
      %add3A_309 = arith.addi %add3A_308, %mul3A_6 : i32
      %select_n3A_310 = arith.constant true
      %select_n3A_311 = arith.constant 0 : i32
      %select_n3A_312 = arith.constant 1 : i32
      %select_n3A_313 = arith.select %select_n3A_310, %select_n3A_312, %select_n3A_311 : i32
      %eq3A_314 = arith.constant 1 : i32
      %eq3A_315 = arith.cmpi eq, %select_n3A_313, %eq3A_314 : i32
      %select_n3A_316 = arith.constant 0 : i32
      %select_n3A_317 = arith.select %eq3A_315, %select_n3A_316, %select_n3A_313 : i32
      %add3A_318 = arith.constant 0 : i32
      %add3A_319 = arith.addi %add3A_318, %mul3A_6 : i32
      %select_n3A_320 = arith.constant true
      %select_n3A_321 = arith.constant 0 : i32
      %select_n3A_322 = arith.constant 1 : i32
      %select_n3A_323 = arith.select %select_n3A_320, %select_n3A_322, %select_n3A_321 : i32
      %eq3A_324 = arith.constant 1 : i32
      %eq3A_325 = arith.cmpi eq, %select_n3A_323, %eq3A_324 : i32
      %select_n3A_326 = arith.constant 0 : i32
      %select_n3A_327 = arith.select %eq3A_325, %select_n3A_326, %select_n3A_323 : i32
      %add3A_328 = arith.constant 0 : i32
      %add3A_329 = arith.addi %add3A_328, %mul3A_6 : i32
      "tpu.trace_start"() <{level = 10 : i32, message = "ep_finalize"}> : () -> ()
      %rem3A_330 = arith.constant 2 : i32
      %rem3A_331 = arith.remui %select_n3A_266, %rem3A_330 : i32
      %mul3A_332 = arith.constant 128 : i32
      %mul3A_333 = arith.muli %mul3A_332, %add3A_299 : i32
      %dma_wait3A = arith.constant 0 : i32
      %dma_wait3A_334 = arith.constant 0 : i32
      %dma_wait3A_335 = tpu.memref_slice %run_scoped3A_10[%rem3A_331, %dma_wait3A, %dma_wait3A_334] : memref<2x128x256xf32, #tpu.memory_space<vmem>> -> memref<1x128x256xf32, #tpu.memory_space<vmem>>
      %dma_wait3A_336 = tpu.memref_squeeze %dma_wait3A_335 : memref<1x128x256xf32, #tpu.memory_space<vmem>> -> memref<128x256xf32, #tpu.memory_space<vmem>>
      %dma_wait3A_337 = arith.constant 0 : i32
      %dma_wait3A_338 = tpu.memref_slice %arg5[%mul3A_333, %dma_wait3A_337] : memref<4096x256xf32, #tpu.memory_space<hbm>> -> memref<128x256xf32, #tpu.memory_space<hbm>>
      %dma_wait3A_339 = tpu.memref_slice %run_scoped3A_11[%rem3A_331] : memref<2x!tpu.dma_semaphore, #tpu.memory_space<semaphore_mem>> -> memref<1x!tpu.dma_semaphore, #tpu.memory_space<semaphore_mem>>
      %dma_wait3A_340 = tpu.memref_squeeze %dma_wait3A_339 : memref<1x!tpu.dma_semaphore, #tpu.memory_space<semaphore_mem>> -> memref<!tpu.dma_semaphore, #tpu.memory_space<semaphore_mem>>
      %dma_wait3A_341 = arith.constant 0 : i32
      %dma_wait3A_342 = tpu.memref_slice %arg5[%mul3A_333, %dma_wait3A_341] : memref<4096x256xf32, #tpu.memory_space<hbm>> -> memref<128x256xf32, #tpu.memory_space<hbm>>
      %dma_wait3A_343 = arith.constant 0 : i32
      %dma_wait3A_344 = arith.constant 0 : i32
      %dma_wait3A_345 = tpu.memref_slice %run_scoped3A_10[%rem3A_331, %dma_wait3A_343, %dma_wait3A_344] : memref<2x128x256xf32, #tpu.memory_space<vmem>> -> memref<1x128x256xf32, #tpu.memory_space<vmem>>
      %dma_wait3A_346 = tpu.memref_squeeze %dma_wait3A_345 : memref<1x128x256xf32, #tpu.memory_space<vmem>> -> memref<128x256xf32, #tpu.memory_space<vmem>>
      tpu.wait_dma2 semaphore(%dma_wait3A_340 : memref<!tpu.dma_semaphore, #tpu.memory_space<semaphore_mem>>) src(%dma_wait3A_346 : memref<128x256xf32, #tpu.memory_space<vmem>>) dst(%dma_wait3A_342 : memref<128x256xf32, #tpu.memory_space<hbm>>)
      "tpu.trace_stop"() : () -> ()
      tpu.yield
    }) : () -> ()
    return
  }
}

module attributes {stable_mosaic.version = 14 : i64} {
  func.func @_tc_body(%arg0: i32, %arg1: memref<1024x512xf32, #tpu.memory_space<vmem>>, %arg2: memref<512x640xf32, #tpu.memory_space<vmem>>, %arg3: memref<1x640xf32, #tpu.memory_space<vmem>>, %arg4: memref<1x1024xi32, #tpu.memory_space<vmem>>, %arg5: memref<1x1024xi32, #tpu.memory_space<vmem>>, %arg6: memref<1x1xf32, #tpu.memory_space<smem>>, %arg7: memref<1x640xf32, #tpu.memory_space<vmem>>) attributes {dimension_semantics = [#tpu.dimension_semantics<arbitrary>], iteration_bounds = array<i64: 4>, scalar_prefetch = 0 : i64, scratch_operands = 1 : i64, tpu.core_type = #tpu.core_type<tc>, window_params = [{transform_indices = @transform_0, window_bounds = array<i64: 1024, 512>}, {pipeline_mode = #tpu.pipeline_mode<synchronous>, transform_indices = @transform_1, window_bounds = array<i64: 512, 640>}, {pipeline_mode = #tpu.pipeline_mode<synchronous>, transform_indices = @transform_2, window_bounds = array<i64: 1, 640>}, {transform_indices = @transform_3, window_bounds = array<i64: 1, 1024>}, {transform_indices = @transform_4, window_bounds = array<i64: 1, 1024>}, {transform_indices = @transform_5, window_bounds = array<i64: 1, 1>}]} {
    %get3A = arith.constant 0 : index
    %get3A_0 = arith.constant 0 : index
    %get3A_1 = vector.load %arg1[%get3A, %get3A_0] : memref<1024x512xf32, #tpu.memory_space<vmem>>, vector<1024x512xf32>
    %get3A_2 = arith.constant 0 : index
    %get3A_3 = arith.constant 0 : index
    %get3A_4 = vector.load %arg2[%get3A_2, %get3A_3] : memref<512x640xf32, #tpu.memory_space<vmem>>, vector<512x640xf32>
    %dot_general3A = arith.constant dense<0.000000e+00> : vector<1024x640xf32>
    %dot_general3A_5 = tpu.matmul %get3A_1, %get3A_4, %dot_general3A {dimension_numbers = #tpu.dot_dimension_numbers<[1], [0], [0], [1], [0, 0, 1, 1], [], []>, transpose_lhs_hint = false} : vector<1024x512xf32>, vector<512x640xf32>, vector<1024x640xf32> -> vector<1024x640xf32>
    %get3A_6 = arith.constant 0 : index
    %get3A_7 = arith.constant 0 : index
    %get3A_8 = vector.load %arg3[%get3A_6, %get3A_7] : memref<1x640xf32, #tpu.memory_space<vmem>>, vector<1x640xf32>
    %add3A = vector.broadcast %get3A_8 : vector<1x640xf32> to vector<1024x640xf32>
    %add3A_9 = arith.addf %dot_general3A_5, %add3A : vector<1024x640xf32>
    %mul3A = arith.constant 655360 : i32
    %mul3A_10 = arith.muli %arg0, %mul3A : i32
    %iota3A = tpu.iota {dimensions = array<i32: 0>} : vector<1024x640xi32>
    %iota3A_11 = tpu.iota {dimensions = array<i32: 1>} : vector<1024x640xi32>
    %mul3A_12 = arith.constant 640 : i32
    %mul3A_13 = vector.broadcast %mul3A_12 : i32 to vector<1024x640xi32>
    %mul3A_14 = arith.muli %iota3A, %mul3A_13 : vector<1024x640xi32>
    %add3A_15 = vector.broadcast %mul3A_10 : i32 to vector<1024x640xi32>
    %add3A_16 = arith.addi %add3A_15, %mul3A_14 : vector<1024x640xi32>
    %add3A_17 = arith.addi %add3A_16, %iota3A_11 : vector<1024x640xi32>
    %broadcast_in_dim3A = arith.constant 0 : i32
    %broadcast_in_dim3A_18 = vector.broadcast %broadcast_in_dim3A : i32 to vector<1024x640xi32>
    %xor3A = arith.constant 0 : i32
    %xor3A_19 = arith.constant 42 : i32
    %xor3A_20 = arith.xori %xor3A, %xor3A_19 : i32
    %xor3A_21 = arith.constant 466688986 : i32
    %xor3A_22 = arith.xori %xor3A_20, %xor3A_21 : i32
    %add3A_23 = arith.constant 0 : i32
    %add3A_24 = vector.broadcast %add3A_23 : i32 to vector<1024x640xi32>
    %add3A_25 = arith.addi %broadcast_in_dim3A_18, %add3A_24 : vector<1024x640xi32>
    %add3A_26 = arith.constant 42 : i32
    %add3A_27 = vector.broadcast %add3A_26 : i32 to vector<1024x640xi32>
    %add3A_28 = arith.addi %add3A_17, %add3A_27 : vector<1024x640xi32>
    %add3A_29 = arith.addi %add3A_25, %add3A_28 : vector<1024x640xi32>
    %shift_left3A = arith.constant 13 : i32
    %shift_left3A_30 = vector.broadcast %shift_left3A : i32 to vector<1024x640xi32>
    %shift_left3A_31 = arith.shli %add3A_28, %shift_left3A_30 : vector<1024x640xi32>
    %shift_right_logical3A = arith.constant 19 : i32
    %shift_right_logical3A_32 = vector.broadcast %shift_right_logical3A : i32 to vector<1024x640xi32>
    %shift_right_logical3A_33 = arith.shrui %add3A_28, %shift_right_logical3A_32 : vector<1024x640xi32>
    %or3A = arith.ori %shift_left3A_31, %shift_right_logical3A_33 : vector<1024x640xi32>
    %xor3A_34 = arith.xori %or3A, %add3A_29 : vector<1024x640xi32>
    %add3A_35 = arith.addi %add3A_29, %xor3A_34 : vector<1024x640xi32>
    %shift_left3A_36 = arith.constant 15 : i32
    %shift_left3A_37 = vector.broadcast %shift_left3A_36 : i32 to vector<1024x640xi32>
    %shift_left3A_38 = arith.shli %xor3A_34, %shift_left3A_37 : vector<1024x640xi32>
    %shift_right_logical3A_39 = arith.constant 17 : i32
    %shift_right_logical3A_40 = vector.broadcast %shift_right_logical3A_39 : i32 to vector<1024x640xi32>
    %shift_right_logical3A_41 = arith.shrui %xor3A_34, %shift_right_logical3A_40 : vector<1024x640xi32>
    %or3A_42 = arith.ori %shift_left3A_38, %shift_right_logical3A_41 : vector<1024x640xi32>
    %xor3A_43 = arith.xori %or3A_42, %add3A_35 : vector<1024x640xi32>
    %add3A_44 = arith.addi %add3A_35, %xor3A_43 : vector<1024x640xi32>
    %shift_left3A_45 = arith.constant 26 : i32
    %shift_left3A_46 = vector.broadcast %shift_left3A_45 : i32 to vector<1024x640xi32>
    %shift_left3A_47 = arith.shli %xor3A_43, %shift_left3A_46 : vector<1024x640xi32>
    %shift_right_logical3A_48 = arith.constant 6 : i32
    %shift_right_logical3A_49 = vector.broadcast %shift_right_logical3A_48 : i32 to vector<1024x640xi32>
    %shift_right_logical3A_50 = arith.shrui %xor3A_43, %shift_right_logical3A_49 : vector<1024x640xi32>
    %or3A_51 = arith.ori %shift_left3A_47, %shift_right_logical3A_50 : vector<1024x640xi32>
    %xor3A_52 = arith.xori %or3A_51, %add3A_44 : vector<1024x640xi32>
    %add3A_53 = arith.addi %add3A_44, %xor3A_52 : vector<1024x640xi32>
    %shift_left3A_54 = arith.constant 6 : i32
    %shift_left3A_55 = vector.broadcast %shift_left3A_54 : i32 to vector<1024x640xi32>
    %shift_left3A_56 = arith.shli %xor3A_52, %shift_left3A_55 : vector<1024x640xi32>
    %shift_right_logical3A_57 = arith.constant 26 : i32
    %shift_right_logical3A_58 = vector.broadcast %shift_right_logical3A_57 : i32 to vector<1024x640xi32>
    %shift_right_logical3A_59 = arith.shrui %xor3A_52, %shift_right_logical3A_58 : vector<1024x640xi32>
    %or3A_60 = arith.ori %shift_left3A_56, %shift_right_logical3A_59 : vector<1024x640xi32>
    %xor3A_61 = arith.xori %or3A_60, %add3A_53 : vector<1024x640xi32>
    %add3A_62 = arith.constant 42 : i32
    %add3A_63 = vector.broadcast %add3A_62 : i32 to vector<1024x640xi32>
    %add3A_64 = arith.addi %add3A_53, %add3A_63 : vector<1024x640xi32>
    %add3A_65 = vector.broadcast %xor3A_22 : i32 to vector<1024x640xi32>
    %add3A_66 = arith.addi %xor3A_61, %add3A_65 : vector<1024x640xi32>
    %add3A_67 = arith.constant 1 : i32
    %add3A_68 = vector.broadcast %add3A_67 : i32 to vector<1024x640xi32>
    %add3A_69 = arith.addi %add3A_66, %add3A_68 : vector<1024x640xi32>
    %add3A_70 = arith.addi %add3A_64, %add3A_69 : vector<1024x640xi32>
    %shift_left3A_71 = arith.constant 17 : i32
    %shift_left3A_72 = vector.broadcast %shift_left3A_71 : i32 to vector<1024x640xi32>
    %shift_left3A_73 = arith.shli %add3A_69, %shift_left3A_72 : vector<1024x640xi32>
    %shift_right_logical3A_74 = arith.constant 15 : i32
    %shift_right_logical3A_75 = vector.broadcast %shift_right_logical3A_74 : i32 to vector<1024x640xi32>
    %shift_right_logical3A_76 = arith.shrui %add3A_69, %shift_right_logical3A_75 : vector<1024x640xi32>
    %or3A_77 = arith.ori %shift_left3A_73, %shift_right_logical3A_76 : vector<1024x640xi32>
    %xor3A_78 = arith.xori %or3A_77, %add3A_70 : vector<1024x640xi32>
    %add3A_79 = arith.addi %add3A_70, %xor3A_78 : vector<1024x640xi32>
    %shift_left3A_80 = arith.constant 29 : i32
    %shift_left3A_81 = vector.broadcast %shift_left3A_80 : i32 to vector<1024x640xi32>
    %shift_left3A_82 = arith.shli %xor3A_78, %shift_left3A_81 : vector<1024x640xi32>
    %shift_right_logical3A_83 = arith.constant 3 : i32
    %shift_right_logical3A_84 = vector.broadcast %shift_right_logical3A_83 : i32 to vector<1024x640xi32>
    %shift_right_logical3A_85 = arith.shrui %xor3A_78, %shift_right_logical3A_84 : vector<1024x640xi32>
    %or3A_86 = arith.ori %shift_left3A_82, %shift_right_logical3A_85 : vector<1024x640xi32>
    %xor3A_87 = arith.xori %or3A_86, %add3A_79 : vector<1024x640xi32>
    %add3A_88 = arith.addi %add3A_79, %xor3A_87 : vector<1024x640xi32>
    %shift_left3A_89 = arith.constant 16 : i32
    %shift_left3A_90 = vector.broadcast %shift_left3A_89 : i32 to vector<1024x640xi32>
    %shift_left3A_91 = arith.shli %xor3A_87, %shift_left3A_90 : vector<1024x640xi32>
    %shift_right_logical3A_92 = arith.constant 16 : i32
    %shift_right_logical3A_93 = vector.broadcast %shift_right_logical3A_92 : i32 to vector<1024x640xi32>
    %shift_right_logical3A_94 = arith.shrui %xor3A_87, %shift_right_logical3A_93 : vector<1024x640xi32>
    %or3A_95 = arith.ori %shift_left3A_91, %shift_right_logical3A_94 : vector<1024x640xi32>
    %xor3A_96 = arith.xori %or3A_95, %add3A_88 : vector<1024x640xi32>
    %add3A_97 = arith.addi %add3A_88, %xor3A_96 : vector<1024x640xi32>
    %shift_left3A_98 = arith.constant 24 : i32
    %shift_left3A_99 = vector.broadcast %shift_left3A_98 : i32 to vector<1024x640xi32>
    %shift_left3A_100 = arith.shli %xor3A_96, %shift_left3A_99 : vector<1024x640xi32>
    %shift_right_logical3A_101 = arith.constant 8 : i32
    %shift_right_logical3A_102 = vector.broadcast %shift_right_logical3A_101 : i32 to vector<1024x640xi32>
    %shift_right_logical3A_103 = arith.shrui %xor3A_96, %shift_right_logical3A_102 : vector<1024x640xi32>
    %or3A_104 = arith.ori %shift_left3A_100, %shift_right_logical3A_103 : vector<1024x640xi32>
    %xor3A_105 = arith.xori %or3A_104, %add3A_97 : vector<1024x640xi32>
    %add3A_106 = vector.broadcast %xor3A_22 : i32 to vector<1024x640xi32>
    %add3A_107 = arith.addi %add3A_97, %add3A_106 : vector<1024x640xi32>
    %add3A_108 = arith.constant 0 : i32
    %add3A_109 = vector.broadcast %add3A_108 : i32 to vector<1024x640xi32>
    %add3A_110 = arith.addi %xor3A_105, %add3A_109 : vector<1024x640xi32>
    %add3A_111 = arith.constant 2 : i32
    %add3A_112 = vector.broadcast %add3A_111 : i32 to vector<1024x640xi32>
    %add3A_113 = arith.addi %add3A_110, %add3A_112 : vector<1024x640xi32>
    %add3A_114 = arith.addi %add3A_107, %add3A_113 : vector<1024x640xi32>
    %shift_left3A_115 = arith.constant 13 : i32
    %shift_left3A_116 = vector.broadcast %shift_left3A_115 : i32 to vector<1024x640xi32>
    %shift_left3A_117 = arith.shli %add3A_113, %shift_left3A_116 : vector<1024x640xi32>
    %shift_right_logical3A_118 = arith.constant 19 : i32
    %shift_right_logical3A_119 = vector.broadcast %shift_right_logical3A_118 : i32 to vector<1024x640xi32>
    %shift_right_logical3A_120 = arith.shrui %add3A_113, %shift_right_logical3A_119 : vector<1024x640xi32>
    %or3A_121 = arith.ori %shift_left3A_117, %shift_right_logical3A_120 : vector<1024x640xi32>
    %xor3A_122 = arith.xori %or3A_121, %add3A_114 : vector<1024x640xi32>
    %add3A_123 = arith.addi %add3A_114, %xor3A_122 : vector<1024x640xi32>
    %shift_left3A_124 = arith.constant 15 : i32
    %shift_left3A_125 = vector.broadcast %shift_left3A_124 : i32 to vector<1024x640xi32>
    %shift_left3A_126 = arith.shli %xor3A_122, %shift_left3A_125 : vector<1024x640xi32>
    %shift_right_logical3A_127 = arith.constant 17 : i32
    %shift_right_logical3A_128 = vector.broadcast %shift_right_logical3A_127 : i32 to vector<1024x640xi32>
    %shift_right_logical3A_129 = arith.shrui %xor3A_122, %shift_right_logical3A_128 : vector<1024x640xi32>
    %or3A_130 = arith.ori %shift_left3A_126, %shift_right_logical3A_129 : vector<1024x640xi32>
    %xor3A_131 = arith.xori %or3A_130, %add3A_123 : vector<1024x640xi32>
    %add3A_132 = arith.addi %add3A_123, %xor3A_131 : vector<1024x640xi32>
    %shift_left3A_133 = arith.constant 26 : i32
    %shift_left3A_134 = vector.broadcast %shift_left3A_133 : i32 to vector<1024x640xi32>
    %shift_left3A_135 = arith.shli %xor3A_131, %shift_left3A_134 : vector<1024x640xi32>
    %shift_right_logical3A_136 = arith.constant 6 : i32
    %shift_right_logical3A_137 = vector.broadcast %shift_right_logical3A_136 : i32 to vector<1024x640xi32>
    %shift_right_logical3A_138 = arith.shrui %xor3A_131, %shift_right_logical3A_137 : vector<1024x640xi32>
    %or3A_139 = arith.ori %shift_left3A_135, %shift_right_logical3A_138 : vector<1024x640xi32>
    %xor3A_140 = arith.xori %or3A_139, %add3A_132 : vector<1024x640xi32>
    %add3A_141 = arith.addi %add3A_132, %xor3A_140 : vector<1024x640xi32>
    %shift_left3A_142 = arith.constant 6 : i32
    %shift_left3A_143 = vector.broadcast %shift_left3A_142 : i32 to vector<1024x640xi32>
    %shift_left3A_144 = arith.shli %xor3A_140, %shift_left3A_143 : vector<1024x640xi32>
    %shift_right_logical3A_145 = arith.constant 26 : i32
    %shift_right_logical3A_146 = vector.broadcast %shift_right_logical3A_145 : i32 to vector<1024x640xi32>
    %shift_right_logical3A_147 = arith.shrui %xor3A_140, %shift_right_logical3A_146 : vector<1024x640xi32>
    %or3A_148 = arith.ori %shift_left3A_144, %shift_right_logical3A_147 : vector<1024x640xi32>
    %xor3A_149 = arith.xori %or3A_148, %add3A_141 : vector<1024x640xi32>
    %add3A_150 = arith.constant 0 : i32
    %add3A_151 = vector.broadcast %add3A_150 : i32 to vector<1024x640xi32>
    %add3A_152 = arith.addi %add3A_141, %add3A_151 : vector<1024x640xi32>
    %add3A_153 = arith.constant 42 : i32
    %add3A_154 = vector.broadcast %add3A_153 : i32 to vector<1024x640xi32>
    %add3A_155 = arith.addi %xor3A_149, %add3A_154 : vector<1024x640xi32>
    %add3A_156 = arith.constant 3 : i32
    %add3A_157 = vector.broadcast %add3A_156 : i32 to vector<1024x640xi32>
    %add3A_158 = arith.addi %add3A_155, %add3A_157 : vector<1024x640xi32>
    %add3A_159 = arith.addi %add3A_152, %add3A_158 : vector<1024x640xi32>
    %shift_left3A_160 = arith.constant 17 : i32
    %shift_left3A_161 = vector.broadcast %shift_left3A_160 : i32 to vector<1024x640xi32>
    %shift_left3A_162 = arith.shli %add3A_158, %shift_left3A_161 : vector<1024x640xi32>
    %shift_right_logical3A_163 = arith.constant 15 : i32
    %shift_right_logical3A_164 = vector.broadcast %shift_right_logical3A_163 : i32 to vector<1024x640xi32>
    %shift_right_logical3A_165 = arith.shrui %add3A_158, %shift_right_logical3A_164 : vector<1024x640xi32>
    %or3A_166 = arith.ori %shift_left3A_162, %shift_right_logical3A_165 : vector<1024x640xi32>
    %xor3A_167 = arith.xori %or3A_166, %add3A_159 : vector<1024x640xi32>
    %add3A_168 = arith.addi %add3A_159, %xor3A_167 : vector<1024x640xi32>
    %shift_left3A_169 = arith.constant 29 : i32
    %shift_left3A_170 = vector.broadcast %shift_left3A_169 : i32 to vector<1024x640xi32>
    %shift_left3A_171 = arith.shli %xor3A_167, %shift_left3A_170 : vector<1024x640xi32>
    %shift_right_logical3A_172 = arith.constant 3 : i32
    %shift_right_logical3A_173 = vector.broadcast %shift_right_logical3A_172 : i32 to vector<1024x640xi32>
    %shift_right_logical3A_174 = arith.shrui %xor3A_167, %shift_right_logical3A_173 : vector<1024x640xi32>
    %or3A_175 = arith.ori %shift_left3A_171, %shift_right_logical3A_174 : vector<1024x640xi32>
    %xor3A_176 = arith.xori %or3A_175, %add3A_168 : vector<1024x640xi32>
    %add3A_177 = arith.addi %add3A_168, %xor3A_176 : vector<1024x640xi32>
    %shift_left3A_178 = arith.constant 16 : i32
    %shift_left3A_179 = vector.broadcast %shift_left3A_178 : i32 to vector<1024x640xi32>
    %shift_left3A_180 = arith.shli %xor3A_176, %shift_left3A_179 : vector<1024x640xi32>
    %shift_right_logical3A_181 = arith.constant 16 : i32
    %shift_right_logical3A_182 = vector.broadcast %shift_right_logical3A_181 : i32 to vector<1024x640xi32>
    %shift_right_logical3A_183 = arith.shrui %xor3A_176, %shift_right_logical3A_182 : vector<1024x640xi32>
    %or3A_184 = arith.ori %shift_left3A_180, %shift_right_logical3A_183 : vector<1024x640xi32>
    %xor3A_185 = arith.xori %or3A_184, %add3A_177 : vector<1024x640xi32>
    %add3A_186 = arith.addi %add3A_177, %xor3A_185 : vector<1024x640xi32>
    %shift_left3A_187 = arith.constant 24 : i32
    %shift_left3A_188 = vector.broadcast %shift_left3A_187 : i32 to vector<1024x640xi32>
    %shift_left3A_189 = arith.shli %xor3A_185, %shift_left3A_188 : vector<1024x640xi32>
    %shift_right_logical3A_190 = arith.constant 8 : i32
    %shift_right_logical3A_191 = vector.broadcast %shift_right_logical3A_190 : i32 to vector<1024x640xi32>
    %shift_right_logical3A_192 = arith.shrui %xor3A_185, %shift_right_logical3A_191 : vector<1024x640xi32>
    %or3A_193 = arith.ori %shift_left3A_189, %shift_right_logical3A_192 : vector<1024x640xi32>
    %xor3A_194 = arith.xori %or3A_193, %add3A_186 : vector<1024x640xi32>
    %add3A_195 = arith.constant 42 : i32
    %add3A_196 = vector.broadcast %add3A_195 : i32 to vector<1024x640xi32>
    %add3A_197 = arith.addi %add3A_186, %add3A_196 : vector<1024x640xi32>
    %add3A_198 = vector.broadcast %xor3A_22 : i32 to vector<1024x640xi32>
    %add3A_199 = arith.addi %xor3A_194, %add3A_198 : vector<1024x640xi32>
    %add3A_200 = arith.constant 4 : i32
    %add3A_201 = vector.broadcast %add3A_200 : i32 to vector<1024x640xi32>
    %add3A_202 = arith.addi %add3A_199, %add3A_201 : vector<1024x640xi32>
    %add3A_203 = arith.addi %add3A_197, %add3A_202 : vector<1024x640xi32>
    %shift_left3A_204 = arith.constant 13 : i32
    %shift_left3A_205 = vector.broadcast %shift_left3A_204 : i32 to vector<1024x640xi32>
    %shift_left3A_206 = arith.shli %add3A_202, %shift_left3A_205 : vector<1024x640xi32>
    %shift_right_logical3A_207 = arith.constant 19 : i32
    %shift_right_logical3A_208 = vector.broadcast %shift_right_logical3A_207 : i32 to vector<1024x640xi32>
    %shift_right_logical3A_209 = arith.shrui %add3A_202, %shift_right_logical3A_208 : vector<1024x640xi32>
    %or3A_210 = arith.ori %shift_left3A_206, %shift_right_logical3A_209 : vector<1024x640xi32>
    %xor3A_211 = arith.xori %or3A_210, %add3A_203 : vector<1024x640xi32>
    %add3A_212 = arith.addi %add3A_203, %xor3A_211 : vector<1024x640xi32>
    %shift_left3A_213 = arith.constant 15 : i32
    %shift_left3A_214 = vector.broadcast %shift_left3A_213 : i32 to vector<1024x640xi32>
    %shift_left3A_215 = arith.shli %xor3A_211, %shift_left3A_214 : vector<1024x640xi32>
    %shift_right_logical3A_216 = arith.constant 17 : i32
    %shift_right_logical3A_217 = vector.broadcast %shift_right_logical3A_216 : i32 to vector<1024x640xi32>
    %shift_right_logical3A_218 = arith.shrui %xor3A_211, %shift_right_logical3A_217 : vector<1024x640xi32>
    %or3A_219 = arith.ori %shift_left3A_215, %shift_right_logical3A_218 : vector<1024x640xi32>
    %xor3A_220 = arith.xori %or3A_219, %add3A_212 : vector<1024x640xi32>
    %add3A_221 = arith.addi %add3A_212, %xor3A_220 : vector<1024x640xi32>
    %shift_left3A_222 = arith.constant 26 : i32
    %shift_left3A_223 = vector.broadcast %shift_left3A_222 : i32 to vector<1024x640xi32>
    %shift_left3A_224 = arith.shli %xor3A_220, %shift_left3A_223 : vector<1024x640xi32>
    %shift_right_logical3A_225 = arith.constant 6 : i32
    %shift_right_logical3A_226 = vector.broadcast %shift_right_logical3A_225 : i32 to vector<1024x640xi32>
    %shift_right_logical3A_227 = arith.shrui %xor3A_220, %shift_right_logical3A_226 : vector<1024x640xi32>
    %or3A_228 = arith.ori %shift_left3A_224, %shift_right_logical3A_227 : vector<1024x640xi32>
    %xor3A_229 = arith.xori %or3A_228, %add3A_221 : vector<1024x640xi32>
    %add3A_230 = arith.addi %add3A_221, %xor3A_229 : vector<1024x640xi32>
    %shift_left3A_231 = arith.constant 6 : i32
    %shift_left3A_232 = vector.broadcast %shift_left3A_231 : i32 to vector<1024x640xi32>
    %shift_left3A_233 = arith.shli %xor3A_229, %shift_left3A_232 : vector<1024x640xi32>
    %shift_right_logical3A_234 = arith.constant 26 : i32
    %shift_right_logical3A_235 = vector.broadcast %shift_right_logical3A_234 : i32 to vector<1024x640xi32>
    %shift_right_logical3A_236 = arith.shrui %xor3A_229, %shift_right_logical3A_235 : vector<1024x640xi32>
    %or3A_237 = arith.ori %shift_left3A_233, %shift_right_logical3A_236 : vector<1024x640xi32>
    %xor3A_238 = arith.xori %or3A_237, %add3A_230 : vector<1024x640xi32>
    %add3A_239 = vector.broadcast %xor3A_22 : i32 to vector<1024x640xi32>
    %add3A_240 = arith.addi %add3A_230, %add3A_239 : vector<1024x640xi32>
    %add3A_241 = arith.constant 0 : i32
    %add3A_242 = vector.broadcast %add3A_241 : i32 to vector<1024x640xi32>
    %add3A_243 = arith.addi %xor3A_238, %add3A_242 : vector<1024x640xi32>
    %add3A_244 = arith.constant 5 : i32
    %add3A_245 = vector.broadcast %add3A_244 : i32 to vector<1024x640xi32>
    %add3A_246 = arith.addi %add3A_243, %add3A_245 : vector<1024x640xi32>
    %xor3A_247 = arith.xori %add3A_240, %add3A_246 : vector<1024x640xi32>
    %shift_right_logical3A_248 = arith.constant 9 : i32
    %shift_right_logical3A_249 = vector.broadcast %shift_right_logical3A_248 : i32 to vector<1024x640xi32>
    %shift_right_logical3A_250 = arith.shrui %xor3A_247, %shift_right_logical3A_249 : vector<1024x640xi32>
    %or3A_251 = arith.constant 1065353216 : i32
    %or3A_252 = vector.broadcast %or3A_251 : i32 to vector<1024x640xi32>
    %or3A_253 = arith.ori %shift_right_logical3A_250, %or3A_252 : vector<1024x640xi32>
    %bitcast_convert_type3A = tpu.bitcast %or3A_253 : vector<1024x640xi32> -> vector<1024x640xf32>
    %sub3A = arith.constant 1.000000e+00 : f32
    %sub3A_254 = vector.broadcast %sub3A : f32 to vector<1024x640xf32>
    %sub3A_255 = arith.subf %bitcast_convert_type3A, %sub3A_254 : vector<1024x640xf32>
    %sub3A_256 = arith.constant 1.000000e+00 : f32
    %sub3A_257 = arith.constant 1.17549435E-38 : f32
    %sub3A_258 = arith.subf %sub3A_256, %sub3A_257 : f32
    %mul3A_259 = vector.broadcast %sub3A_258 : f32 to vector<1024x640xf32>
    %mul3A_260 = arith.mulf %sub3A_255, %mul3A_259 : vector<1024x640xf32>
    %add3A_261 = arith.constant 1.17549435E-38 : f32
    %add3A_262 = vector.broadcast %add3A_261 : f32 to vector<1024x640xf32>
    %add3A_263 = arith.addf %mul3A_260, %add3A_262 : vector<1024x640xf32>
    %max3A = arith.constant 1.17549435E-38 : f32
    %max3A_264 = vector.broadcast %max3A : f32 to vector<1024x640xf32>
    %max3A_265 = arith.maximumf %max3A_264, %add3A_263 : vector<1024x640xf32>
    %log3A = math.log %max3A_265 : vector<1024x640xf32>
    %neg3A = arith.constant 0.000000e+00 : f32
    %neg3A_266 = vector.broadcast %neg3A : f32 to vector<1024x640xf32>
    %neg3A_267 = arith.subf %neg3A_266, %log3A : vector<1024x640xf32>
    %log3A_268 = math.log %neg3A_267 : vector<1024x640xf32>
    %neg3A_269 = arith.constant 0.000000e+00 : f32
    %neg3A_270 = vector.broadcast %neg3A_269 : f32 to vector<1024x640xf32>
    %neg3A_271 = arith.subf %neg3A_270, %log3A_268 : vector<1024x640xf32>
    %add3A_272 = arith.addf %add3A_9, %neg3A_271 : vector<1024x640xf32>
    %iota3A_273 = tpu.iota {dimensions = array<i32: 1>} : vector<1024x640xi32>
    %lt3A = arith.constant 320 : i32
    %lt3A_274 = vector.broadcast %lt3A : i32 to vector<1024x640xi32>
    %lt3A_275 = arith.cmpi slt, %iota3A_273, %lt3A_274 : vector<1024x640xi32>
    %jit3A = arith.constant 0xFF800000 : f32
    %broadcast_in_dim3A_276 = vector.broadcast %jit3A : f32 to vector<1024x640xf32>
    %select_n3A = arith.select %lt3A_275, %add3A_272, %broadcast_in_dim3A_276 : vector<1024x640xi1>, vector<1024x640xf32>
    %argmax3A = tpu.reduce_index %select_n3A {axis = 1 : i32, kind = #tpu.reduction_kind<arg_max>} : vector<1024x640xf32> -> vector<1024xi32>
    %jit3A_277 = arith.constant 0xFF800000 : f32
    %broadcast_in_dim3A_278 = vector.broadcast %jit3A_277 : f32 to vector<1024x640xf32>
    %select_n3A_279 = arith.select %lt3A_275, %broadcast_in_dim3A_278, %add3A_272 : vector<1024x640xi1>, vector<1024x640xf32>
    %argmax3A_280 = tpu.reduce_index %select_n3A_279 {axis = 1 : i32, kind = #tpu.reduction_kind<arg_max>} : vector<1024x640xf32> -> vector<1024xi32>
    %reshape3A = vector.shape_cast %argmax3A : vector<1024xi32> to vector<1x1024xi32>
    %swap3A = arith.constant 0 : index
    %swap3A_281 = arith.constant 0 : index
    %swap3A_282 = vector.load %arg4[%swap3A, %swap3A_281] : memref<1x1024xi32, #tpu.memory_space<vmem>>, vector<1x1024xi32>
    tpu.vector_store %arg4[%swap3A, %swap3A_281], %reshape3A {strides = array<i32>} : memref<1x1024xi32, #tpu.memory_space<vmem>>, vector<1x1024xi32>,
    %reshape3A_283 = vector.shape_cast %argmax3A_280 : vector<1024xi32> to vector<1x1024xi32>
    %swap3A_284 = arith.constant 0 : index
    %swap3A_285 = arith.constant 0 : index
    %swap3A_286 = vector.load %arg5[%swap3A_284, %swap3A_285] : memref<1x1024xi32, #tpu.memory_space<vmem>>, vector<1x1024xi32>
    tpu.vector_store %arg5[%swap3A_284, %swap3A_285], %reshape3A_283 {strides = array<i32>} : memref<1x1024xi32, #tpu.memory_space<vmem>>, vector<1x1024xi32>,
    %jit3A_287 = arith.constant 0xFF800000 : f32
    %broadcast_in_dim3A_288 = vector.broadcast %jit3A_287 : f32 to vector<1024x640xf32>
    %select_n3A_289 = arith.select %lt3A_275, %add3A_9, %broadcast_in_dim3A_288 : vector<1024x640xi1>, vector<1024x640xf32>
    %reduce_max3A = arith.constant dense<0xFF800000> : vector<1024xf32>
    %reduce_max3A_290 = vector.multi_reduction <maximumf>, %select_n3A_289, %reduce_max3A [1] : vector<1024x640xf32> to vector<1024xf32>
    %broadcast_in_dim3A_291 = vector.shape_cast %reduce_max3A_290 : vector<1024xf32> to vector<1024x1xf32>
    %jit3A_292 = arith.constant 0xFF800000 : f32
    %broadcast_in_dim3A_293 = vector.broadcast %jit3A_292 : f32 to vector<1024x640xf32>
    %select_n3A_294 = arith.select %lt3A_275, %broadcast_in_dim3A_293, %add3A_9 : vector<1024x640xi1>, vector<1024x640xf32>
    %reduce_max3A_295 = arith.constant dense<0xFF800000> : vector<1024xf32>
    %reduce_max3A_296 = vector.multi_reduction <maximumf>, %select_n3A_294, %reduce_max3A_295 [1] : vector<1024x640xf32> to vector<1024xf32>
    %broadcast_in_dim3A_297 = vector.shape_cast %reduce_max3A_296 : vector<1024xf32> to vector<1024x1xf32>
    %broadcast_in_dim3A_298 = vector.shape_cast %broadcast_in_dim3A_291 : vector<1024x1xf32> to vector<1024x1xf32>
    %broadcast_in_dim3A_299 = vector.broadcast %broadcast_in_dim3A_298 : vector<1024x1xf32> to vector<1024x640xf32>
    %broadcast_in_dim3A_300 = vector.shape_cast %broadcast_in_dim3A_297 : vector<1024x1xf32> to vector<1024x1xf32>
    %broadcast_in_dim3A_301 = vector.broadcast %broadcast_in_dim3A_300 : vector<1024x1xf32> to vector<1024x640xf32>
    %select_n3A_302 = arith.select %lt3A_275, %broadcast_in_dim3A_299, %broadcast_in_dim3A_301 : vector<1024x640xi1>, vector<1024x640xf32>
    %sub3A_303 = arith.subf %add3A_9, %select_n3A_302 : vector<1024x640xf32>
    %exp3A = math.exp %sub3A_303 : vector<1024x640xf32>
    %jit3A_304 = arith.constant 0.000000e+00 : f32
    %broadcast_in_dim3A_305 = vector.broadcast %jit3A_304 : f32 to vector<1024x640xf32>
    %select_n3A_306 = arith.select %lt3A_275, %exp3A, %broadcast_in_dim3A_305 : vector<1024x640xi1>, vector<1024x640xf32>
    %reduce_sum3A = arith.constant dense<0.000000e+00> : vector<1024xf32>
    %reduce_sum3A_307 = vector.multi_reduction <add>, %select_n3A_306, %reduce_sum3A [1] : vector<1024x640xf32> to vector<1024xf32>
    %broadcast_in_dim3A_308 = vector.shape_cast %reduce_sum3A_307 : vector<1024xf32> to vector<1024x1xf32>
    %jit3A_309 = arith.constant 0.000000e+00 : f32
    %broadcast_in_dim3A_310 = vector.broadcast %jit3A_309 : f32 to vector<1024x640xf32>
    %select_n3A_311 = arith.select %lt3A_275, %broadcast_in_dim3A_310, %exp3A : vector<1024x640xi1>, vector<1024x640xf32>
    %reduce_sum3A_312 = arith.constant dense<0.000000e+00> : vector<1024xf32>
    %reduce_sum3A_313 = vector.multi_reduction <add>, %select_n3A_311, %reduce_sum3A_312 [1] : vector<1024x640xf32> to vector<1024xf32>
    %broadcast_in_dim3A_314 = vector.shape_cast %reduce_sum3A_313 : vector<1024xf32> to vector<1024x1xf32>
    %broadcast_in_dim3A_315 = vector.shape_cast %broadcast_in_dim3A_308 : vector<1024x1xf32> to vector<1024x1xf32>
    %broadcast_in_dim3A_316 = vector.broadcast %broadcast_in_dim3A_315 : vector<1024x1xf32> to vector<1024x640xf32>
    %broadcast_in_dim3A_317 = vector.shape_cast %broadcast_in_dim3A_314 : vector<1024x1xf32> to vector<1024x1xf32>
    %broadcast_in_dim3A_318 = vector.broadcast %broadcast_in_dim3A_317 : vector<1024x1xf32> to vector<1024x640xf32>
    %select_n3A_319 = arith.select %lt3A_275, %broadcast_in_dim3A_316, %broadcast_in_dim3A_318 : vector<1024x640xi1>, vector<1024x640xf32>
    %div3A = arith.divf %exp3A, %select_n3A_319 : vector<1024x640xf32>
    %reduce_sum3A_320 = arith.constant dense<0.000000e+00> : vector<640xf32>
    %reduce_sum3A_321 = vector.multi_reduction <add>, %div3A, %reduce_sum3A_320 [0] : vector<1024x640xf32> to vector<640xf32>
    %broadcast_in_dim3A_322 = vector.shape_cast %reduce_sum3A_321 : vector<640xf32> to vector<1x640xf32>
    %eq3A = arith.constant 0 : i32
    %eq3A_323 = arith.cmpi eq, %arg0, %eq3A : i32
    %convert_element_type3A = arith.extui %eq3A_323 : i1 to i32
    %cond3A = arith.constant 0 : i32
    %cond3A_324 = arith.cmpi ne, %convert_element_type3A, %cond3A : i32
    scf.if %cond3A_324 {
      %swap3A_334 = arith.constant 0 : index
      %swap3A_335 = arith.constant 0 : index
      %swap3A_336 = vector.load %arg7[%swap3A_334, %swap3A_335] : memref<1x640xf32, #tpu.memory_space<vmem>>, vector<1x640xf32>
      tpu.vector_store %arg7[%swap3A_334, %swap3A_335], %broadcast_in_dim3A_322 {strides = array<i32>} : memref<1x640xf32, #tpu.memory_space<vmem>>, vector<1x640xf32>,
    } else {
    }
    %gt3A = arith.constant 0 : i32
    %gt3A_325 = arith.cmpi sgt, %arg0, %gt3A : i32
    %convert_element_type3A_326 = arith.extui %gt3A_325 : i1 to i32
    %cond3A_327 = arith.constant 0 : i32
    %cond3A_328 = arith.cmpi ne, %convert_element_type3A_326, %cond3A_327 : i32
    scf.if %cond3A_328 {
      %get3A_334 = arith.constant 0 : index
      %get3A_335 = arith.constant 0 : index
      %get3A_336 = vector.load %arg7[%get3A_334, %get3A_335] : memref<1x640xf32, #tpu.memory_space<vmem>>, vector<1x640xf32>
      %add3A_337 = arith.addf %get3A_336, %broadcast_in_dim3A_322 : vector<1x640xf32>
      %swap3A_338 = arith.constant 0 : index
      %swap3A_339 = arith.constant 0 : index
      %swap3A_340 = vector.load %arg7[%swap3A_338, %swap3A_339] : memref<1x640xf32, #tpu.memory_space<vmem>>, vector<1x640xf32>
      tpu.vector_store %arg7[%swap3A_338, %swap3A_339], %add3A_337 {strides = array<i32>} : memref<1x640xf32, #tpu.memory_space<vmem>>, vector<1x640xf32>,
    } else {
    }
    %eq3A_329 = arith.constant 3 : i32
    %eq3A_330 = arith.cmpi eq, %arg0, %eq3A_329 : i32
    %convert_element_type3A_331 = arith.extui %eq3A_330 : i1 to i32
    %cond3A_332 = arith.constant 0 : i32
    %cond3A_333 = arith.cmpi ne, %convert_element_type3A_331, %cond3A_332 : i32
    scf.if %cond3A_333 {
      %get3A_334 = arith.constant 0 : index
      %get3A_335 = arith.constant 0 : index
      %get3A_336 = vector.load %arg7[%get3A_334, %get3A_335] : memref<1x640xf32, #tpu.memory_space<vmem>>, vector<1x640xf32>
      %mul3A_337 = arith.constant 2.44140625E-4 : f32
      %mul3A_338 = vector.broadcast %mul3A_337 : f32 to vector<1x640xf32>
      %mul3A_339 = arith.mulf %get3A_336, %mul3A_338 : vector<1x640xf32>
      %add3A_340 = arith.constant 1.000000e-07 : f32
      %add3A_341 = vector.broadcast %add3A_340 : f32 to vector<1x640xf32>
      %add3A_342 = arith.addf %mul3A_339, %add3A_341 : vector<1x640xf32>
      %log3A_343 = math.log %add3A_342 : vector<1x640xf32>
      %mul3A_344 = arith.mulf %mul3A_339, %log3A_343 : vector<1x640xf32>
      %iota3A_345 = tpu.iota {dimensions = array<i32: 1>} : vector<1x640xi32>
      %lt3A_346 = arith.constant 320 : i32
      %lt3A_347 = vector.broadcast %lt3A_346 : i32 to vector<1x640xi32>
      %lt3A_348 = arith.cmpi slt, %iota3A_345, %lt3A_347 : vector<1x640xi32>
      %jit3A_349 = arith.constant 0.000000e+00 : f32
      %broadcast_in_dim3A_350 = vector.broadcast %jit3A_349 : f32 to vector<1x640xf32>
      %select_n3A_351 = arith.select %lt3A_348, %mul3A_344, %broadcast_in_dim3A_350 : vector<1x640xi1>, vector<1x640xf32>
      %reduce_sum3A_352 = vector.shape_cast %select_n3A_351 : vector<1x640xf32> to vector<1x1x640xf32>
      %reduce_sum3A_353 = arith.constant dense<0.000000e+00> : vector<1xf32>
      %reduce_sum3A_354 = vector.multi_reduction <add>, %reduce_sum3A_352, %reduce_sum3A_353 [1, 2] : vector<1x1x640xf32> to vector<1xf32>
      %reduce_sum3A_355 = vector.shape_cast %reduce_sum3A_354 : vector<1xf32> to vector<1x1x1xf32>
      %reduce_sum3A_356 = vector.extract %reduce_sum3A_355[0, 0, 0] : f32 from vector<1x1x1xf32>
      %jit3A_357 = arith.constant 0.000000e+00 : f32
      %broadcast_in_dim3A_358 = vector.broadcast %jit3A_357 : f32 to vector<1x640xf32>
      %select_n3A_359 = arith.select %lt3A_348, %broadcast_in_dim3A_358, %mul3A_344 : vector<1x640xi1>, vector<1x640xf32>
      %reduce_sum3A_360 = vector.shape_cast %select_n3A_359 : vector<1x640xf32> to vector<1x1x640xf32>
      %reduce_sum3A_361 = arith.constant dense<0.000000e+00> : vector<1xf32>
      %reduce_sum3A_362 = vector.multi_reduction <add>, %reduce_sum3A_360, %reduce_sum3A_361 [1, 2] : vector<1x1x640xf32> to vector<1xf32>
      %reduce_sum3A_363 = vector.shape_cast %reduce_sum3A_362 : vector<1xf32> to vector<1x1x1xf32>
      %reduce_sum3A_364 = vector.extract %reduce_sum3A_363[0, 0, 0] : f32 from vector<1x1x1xf32>
      %neg3A_365 = arith.constant 0.000000e+00 : f32
      %neg3A_366 = arith.subf %neg3A_365, %reduce_sum3A_356 : f32
      %exp3A_367 = math.exp %neg3A_366 : f32
      %neg3A_368 = arith.constant 0.000000e+00 : f32
      %neg3A_369 = arith.subf %neg3A_368, %reduce_sum3A_364 : f32
      %exp3A_370 = math.exp %neg3A_369 : f32
      %add3A_371 = arith.addf %exp3A_367, %exp3A_370 : f32
      %swap3A_372 = arith.constant 0 : index
      %swap3A_373 = arith.constant 0 : index
      %swap3A_374 = memref.load %arg6[%swap3A_372, %swap3A_373] : memref<1x1xf32, #tpu.memory_space<smem>>
      memref.store %add3A_371, %arg6[%swap3A_372, %swap3A_373] : memref<1x1xf32, #tpu.memory_space<smem>>
    } else {
    }
    return
  }
  func.func @transform_0(%arg0: i32) -> (i32, i32) {
    %c0_i32 = arith.constant 0 : i32
    %c0_i32_0 = arith.constant 0 : i32
    return %arg0, %c0_i32 : i32, i32
  }
  func.func @transform_1(%arg0: i32) -> (i32, i32) {
    %c0_i32 = arith.constant 0 : i32
    %c0_i32_0 = arith.constant 0 : i32
    %c0_i32_1 = arith.constant 0 : i32
    return %c0_i32, %c0_i32_0 : i32, i32
  }
  func.func @transform_2(%arg0: i32) -> (i32, i32) {
    %c0_i32 = arith.constant 0 : i32
    %c0_i32_0 = arith.constant 0 : i32
    %c0_i32_1 = arith.constant 0 : i32
    return %c0_i32, %c0_i32_0 : i32, i32
  }
  func.func @transform_3(%arg0: i32) -> (i32, i32) {
    %c0_i32 = arith.constant 0 : i32
    %c0_i32_0 = arith.constant 0 : i32
    return %c0_i32, %arg0 : i32, i32
  }
  func.func @transform_4(%arg0: i32) -> (i32, i32) {
    %c0_i32 = arith.constant 0 : i32
    %c0_i32_0 = arith.constant 0 : i32
    return %c0_i32, %arg0 : i32, i32
  }
  func.func @transform_5(%arg0: i32) -> (i32, i32) {
    %c0_i32 = arith.constant 0 : i32
    %c0_i32_0 = arith.constant 0 : i32
    %c0_i32_1 = arith.constant 0 : i32
    return %c0_i32, %c0_i32_0 : i32, i32
  }
}

</mosaic_0001>

<sc_bundles>
// kernel: kernel.4.cloned.1.call-start
scs
__scs_entry_jumppad:
0x0: {  	(pc) =	sbr.rel $0x88, $3  }
0x1: {  	(tag) =	ssettag $0x0;
	lr =	simm.s32 $0x1  }
0x2: {  	[smem:$0x3F9D] =	sst lr;
	_ =	strace $0xD0000000  }
0x3: {  	_ = 	snop  }
0x4: {  	_ = 	snop  }
0x5: {  	_ = 	snop  }
0x6: {  	_ = 	snop  }
0x7: {  	_ = 	snop  }
__scs_overlays_trampoline_lowered:
0x8: {  	[smem:$0x3FAC] =	sst s0  }
0x9: {  	[smem:$0x3FAD] =	sst s1  }
0xa: {  	[smem:$0x3FAE] =	sst s2  }
0xb: {  	[smem:$0x3FAF] =	sst s3  }
0xc: {  	[smem:$0x3FB0] =	sst s4  }
0xd: {  	[smem:$0x3FB1] =	sst s5  }
0xe: {  	[smem:$0x3FB2] =	sst s6  }
0xf: {  	[smem:$0x3FB3] =	sst s7  }
0x10: {  	[smem:$0x3FB4] =	sst s8  }
0x11: {  	[smem:$0x3FB5] =	sst s9;
	s0 =	simm.s32 @!p0 $0x0  }
0x12: {  	s1 =	sld [smem:$0x3F9B];
	s0 =	simm.s32 @p0 $0x1  }
0x13: {  	[smem:$0x3FB6] =	sst s0;
	s0 =	simm.s32 @!p1 $0x0  }
0x14: {  	s2 =	sld [smem:$0x3F9A];
	s0 =	simm.s32 @p1 $0x1  }
0x15: {  	[smem:$0x3FB7] =	sst s0;
	s0 =	simm.s32 @!p2 $0x0  }
0x16: {  	s3 =	sld [smem:$0x3FDB];
	s0 =	simm.s32 @p2 $0x1  }
0x17: {  	s4 =	simm.s32 $0x1BF5;
	[smem:$0x3FB9] =	sst s0  }
0x18: {  	s0 =	sld [smem:$0x3F9C];
	_ =	swait.ge [sflag:s4], $0x0  }
0x19: {  	s7 =	sld [smem:$0x3F9D]  }
0x1a: {  	s8 =	sadd.s32 $0xFFFFE003, lr  }
0x1b: {  	s9 =	sadd.s32 $0xFFFFFEF7, lr;
	s5 =	simm.s32 $0xFFFFFFFF;
	p2 =	slt.u32 s8, $0xFFFFF086  }
0x1c: {  	p1 =	slt.u32 s9, $0xF7A;
	s5 =	simm.s32 @!p2 $0x0  }
0x1d: {  	s5 =	simm.s32 @p1 $0x1;
	p0 =	seq.s32 s7, s2  }
0x1e: {  	s7 =	smul.u32 @!p0 $0xF7A, s2;
	p2 =	seq.s32 @!p0 s5, $0x0  }
0x1f: {  	s9 =	smul.u32 $0xF7A, s1;
	s8 =	simm.s32 @!p0 $0x1BF5;
	p2 =	por !p2, p0  }
0x20: {  	[sflag:s8] =	ssyncset.s32 @!p0 $0xFFFFF086;
	s6 =	sadd.s32 @!p0 s3, s7;
	s7 =	simm.s32 @!p0 $0x108  }
0x21: {  	s3 =	sadd.s32 s3, s9;
	s6 =	sadd.s32 @!p0 $0x88, s6;
	s7 =	simm.s32 @p2 $0x1082  }
0x22: {  	[simem:s7], [sflag:s8] =	dma.local @!p0 [hbm:s6], $0xF7A  }
0x23: {  	s9 =	sor.u32 $0xD0000000, s2;
	s6 =	simm.s32 $0x108;
	_ =	swait.ge @!p0 [sflag:s8], $0x0  }
0x24: {  	s3 =	sadd.s32 $0x88, s3;
	s6 =	simm.s32 @!p1 $0x1082;
	[sflag:s4] =	ssyncset.s32 $0xFFFFF086  }
0x25: {  	[simem:s6], [sflag:s4] =	dma.local [hbm:s3], $0xF7A  }
0x26: {  	[smem:$0x3F9D] =	sst s1;
	(tag) =	ssettag s2;
	_ =	strace s9  }
0x27: {  	s1 =	sld [smem:$0x3FAD]  }
0x28: {  	s2 =	sld [smem:$0x3FAE]  }
0x29: {  	s4 =	sld [smem:$0x3FB0]  }
0x2a: {  	p0 =	seq.s32 s5, $0x0;
	s5 =	sld [smem:$0x3FB1]  }
0x2b: {  	s6 =	sld [smem:$0x3FB2]  }
0x2c: {  	s7 =	sld [smem:$0x3FB3]  }
0x2d: {  	s3 =	simm.s32 $0x108;
	s8 =	sld [smem:$0x3FB4]  }
0x2e: {  	s3 =	simm.s32 @!p0 $0x1082;
	s9 =	sld [smem:$0x3FB5]  }
0x2f: {  	lr =	sadd.s32 s0, s3;
	s0 =	sld [smem:$0x3FAC]  }
0x30: {  	s3 =	sld [smem:$0x3FAF]  }
0x31: {  	[smem:$0x3FB8] =	sst s10  }
0x32: {  	s10 =	sld [smem:$0x3FB6];
	_ =	sdelay $0x3  }
0x33: {  	p0 =	seq.s32 s10, $0x1;
	s10 =	sld [smem:$0x3FB8];
	_ =	sdelay $0x3  }
0x34: {  	[smem:$0x3FB8] =	sst s10  }
0x35: {  	s10 =	sld [smem:$0x3FB7];
	_ =	sdelay $0x3  }
0x36: {  	p1 =	seq.s32 s10, $0x1;
	s10 =	sld [smem:$0x3FB8];
	_ =	sdelay $0x3  }
0x37: {  	[smem:$0x3FB8] =	sst s10  }
0x38: {  	s10 =	sld [smem:$0x3FB9]  }
0x39: {  	_ = 	snop;
	(pc) =	sbr.ind lr, $3  }
0x3a: {  	_ = 	snop  }
0x3b: {  	_ = 	snop  }
0x3c: {  	p2 =	seq.s32 s10, $0x1;
	s10 =	sld [smem:$0x3FB8]  }
0x3d: {  	_ =	shalt  }
0x3e: {  	_ =	shalt  }
0x3f: {  	_ =	shalt  }
0x40: {  	_ =	shalt  }
0x41: {  	_ =	shalt  }
0x42: {  	_ =	shalt  }
0x43: {  	_ =	shalt  }
0x44: {  	_ =	shalt  }
0x45: {  	_ =	shalt  }
0x46: {  	_ =	shalt  }
0x47: {  	_ =	shalt  }
0x48: {  	_ =	shalt  }
0x49: {  	_ =	shalt  }
0x4a: {  	_ =	shalt  }
0x4b: {  	_ =	shalt  }
0x4c: {  	_ =	shalt  }
0x4d: {  	_ =	shalt  }
0x4e: {  	_ =	shalt  }
0x4f: {  	_ =	shalt  }
0x50: {  	_ =	shalt  }
0x51: {  	_ =	shalt  }
0x52: {  	_ =	shalt  }
0x53: {  	_ =	shalt  }
0x54: {  	_ =	shalt  }
0x55: {  	_ =	shalt  }
0x56: {  	_ =	shalt  }
0x57: {  	_ =	shalt  }
0x58: {  	_ =	shalt  }
0x59: {  	_ =	shalt  }
0x5a: {  	_ =	shalt  }
0x5b: {  	_ =	shalt  }
0x5c: {  	_ =	shalt  }
0x5d: {  	_ =	shalt  }
0x5e: {  	_ =	shalt  }
0x5f: {  	_ =	shalt  }
0x60: {  	_ =	shalt  }
0x61: {  	_ =	shalt  }
0x62: {  	_ =	shalt  }
0x63: {  	_ =	shalt  }
0x64: {  	_ =	shalt  }
0x65: {  	_ =	shalt  }
0x66: {  	_ =	shalt  }
0x67: {  	_ =	shalt  }
0x68: {  	_ =	shalt  }
0x69: {  	_ =	shalt  }
0x6a: {  	_ =	shalt  }
0x6b: {  	_ =	shalt  }
0x6c: {  	_ =	shalt  }
0x6d: {  	_ =	shalt  }
0x6e: {  	_ =	shalt  }
0x6f: {  	_ =	shalt  }
0x70: {  	_ =	shalt  }
0x71: {  	_ =	shalt  }
0x72: {  	_ =	shalt  }
0x73: {  	_ =	shalt  }
0x74: {  	_ =	shalt  }
0x75: {  	_ =	shalt  }
0x76: {  	_ =	shalt  }
0x77: {  	_ =	shalt  }
0x78: {  	_ =	shalt  }
0x79: {  	_ =	shalt  }
0x7a: {  	_ =	shalt  }
0x7b: {  	_ =	shalt  }
0x7c: {  	_ =	shalt  }
0x7d: {  	_ =	shalt  }
0x7e: {  	_ =	shalt  }
0x7f: {  	_ =	shalt  }
0x80: {  	_ =	shalt  }
0x81: {  	_ =	shalt  }
0x82: {  	_ =	shalt  }
0x83: {  	_ =	shalt  }
0x84: {  	_ =	shalt  }
0x85: {  	_ =	shalt  }
0x86: {  	_ =	shalt  }
0x87: {  	_ =	shalt  }
.Lfunc_end0:
.L_simem_size_0:
called_computation_lowered:
.L_overlay_start_0:
0x88: {  	s2 =	sld [smem:$0x3FD9]  }
0x89: {  	s3 =	sld [smem:$0x3FFE];
	_ =	sdelay $0x1  }
0x8a: {  	s1 =	srdreg.scid  }
0x8b: {  	s0 =	sand.u32 $0x1, s1  }
0x8c: {  	s14 =	sshll.u32 s0, $0xA;
	s2 =	sadd.s32 s3, s2  }
0x8d: {  	s2 =	sadd.s32 s2, s14  }
0x8e: {  	[smem:$0x3FC4] =	sst s2  }
0x8f: {  	_ = 	snop  }
0x90: {  	s2 =	sld [smem:$0x3FD0];
	_ =	sdelay $0x2  }
0x91: {  	s4 =	simm.s32 $0xA;
	s5 =	simm.s32 $0x10;
	s15 =	sld [smem:$0x3FC6]  }
0x92: {  	[smem:s5], [sflag:s4] =	dma.local [hbm:s2], $0x1  }
0x93: {  	_ =	swait.eq [sflag:s4], $0x1  }
0x94: {  	[sflag:s4] =	ssyncset.done $0x0  }
0x95: {  	[sflag:s4] =	ssyncadd.s32 $0xFFFFFFFF  }
0x96: {  	s16 =	sld [smem:$0x10];
	(tm) =	ssettm $0x1  }
0x97: {  	s17 =	sld [smem:$0x3FFB];
	_ =	sdelay $0x3  }
0x98: {  	_ =	strace s17  }
0x99: {  	s4 =	sld [smem:$0x3FFC];
	_ =	sdelay $0x3  }
0x9a: {  	_ =	strace s4  }
0x9b: {  	s4 =	sld [smem:$0x3FFD];
	_ =	sdelay $0x3  }
0x9c: {  	_ =	strace s4  }
0x9d: {  	_ =	strace $0x8FFFFFFF  }
0x9e: {  	s18 =	sld [smem:$0x3FDB];
	_ =	sdelay $0x1  }
0x9f: {  	s19 =	simm.s32 $_scs_section_size  }
0xa0: {  	s6 =	simm.s32 $_size__tile_overlayer_lowered;
	s7 =	simm.s32 $_tile_overlayer_lowered  }
0xa1: {  	s22 =	simm.s32 $0x1BFF;
	s21 =	sshll.u32 s7, $0x1;
	s4 =	sadd.s32 s19, s18  }
0xa2: {  	s8 =	simm.s32 $0x0;
	s20 =	sshll.u32 s6, $0x1;
	s6 =	sadd.s32 s21, s4  }
0xa3: {  	[timem:s8], [sflag:s22] =	dma.local [hbm:s6], s20  }
0xa4: {  	_ =	swait.ge [sflag:s22], s20  }
0xa5: {  	s5 =	ssub.s32 $0x0, s20;
	[sflag:s22] =	ssyncset.done $0x0  }
0xa6: {  	[sflag:s22] =	ssyncadd.s32 s5;
	_ =	sdelay $0x1  }
0xa7: {  	s23 =	simm.s32 $0x1B8B  }
0xa8: {  	_ =	swait.ge [sflag:s23], $0x1  }
0xa9: {  	[sflag:s23] =	ssyncset.done $0x0  }
0xaa: {  	s25 =	simm.s32 $0x1B8E;
	s24 =	sld [smem:$0x3FFE];
	[sflag:s23] =	ssyncadd.s32 $0xFFFFFFFF  }
0xab: {  	s26 =	simm.s32 $execute0_lowered;
	[smem:$0x3FD2] =	sst s25  }
0xac: {  	s6 =	sshll.u32 s26, $0x1;
	_ =	strace $0x80000046;
	[dreg:$0x1] =	wrdreg $0xFFFFFFFF  }
0xad: {  	s28 =	simm.s32 $_size_execute0_lowered;
	s4 =	sadd.s32 s4, s6;
	[dreg:$0x0] =	wrdreg $0x0  }
0xae: {  	s6 =	sshll.u32 s28, $0x1;
	[dreg:$0x2] =	wrdreg s4  }
0xaf: {  	[dreg:$0x3] =	wrdreg s6  }
0xb0: {  	[dreg:$0x4] =	wrdreg $0xC0  }
0xb1: {  	_ =	task [dreg:s8], $0x5FFFF  }
0xb2: {  	[dreg:$0x1] =	wrdreg $0xFFFFFFFF  }
0xb3: {  	[dreg:$0x0] =	wrdreg $0x60  }
0xb4: {  	[dreg:$0x2] =	wrdreg s15  }
0xb5: {  	[dreg:$0x3] =	wrdreg s24  }
0xb6: {  	[dreg:$0x4] =	wrdreg s16  }
0xb7: {  	[dreg:$0x5] =	wrdreg $0x9  }
0xb8: {  	_ =	task.clear_ibuf [dreg:s8], $0x6FFFF;
	_ =	strace $0x90000046  }
0xb9: {  	s29 =	simm.s32 $0x9;
	_ =	strace $0x8000004E  }
0xba: {  	_ =	swait.ge [sflag:s29], $0x1  }
0xbb: {  	[sflag:s29] =	ssyncadd.s32 $0xFFFFFFFF  }
0xbc: {  	_ =	strace $0x9000004E  }
0xbd: {  	_ =	sfence  }
0xbe: {  	s30 =	sld [smem:$0x0];
	_ =	sdelay $0x2  }
0xbf: {  	s31 =	sshll.u32 s1, $0xD;
	s1 =	sshrl.u32 s1, $0x2  }
0xc0: {  	s3 =	sand.u32 $0x4000, s31;
	s1 =	sadd.s32 s1, s30  }
0xc1: {  	s0 =	sor.u32 s3, s0;
	s1 =	sshll.u32 s1, $0x11  }
0xc2: {  	s0 =	sor.u32 s1, s0  }
0xc3: {  	s0 =	sadd.s32 $0x8F2B, s0  }
0xc4: {  	[sflag:s0] =	ssyncadd.remote.s32 $0x1  }
0xc5: {  	_ =	sfence.sel $0xFFFF  }
0xc6: {  	[dreg:$0x0] =	wrdreg $0xFFFFFFFF;
	(pc) =	sbr.abs _section_cstart, $3  }
0xc7: {  	[dreg:$0x1] =	wrdreg $0xFFFFFFFF  }
0xc8: {  	_ =	task.clear_ibuf [dreg:s8], $0x2FFFF;
	_ =	strace $0x9FFFFFFF  }
0xc9: {  	(tm) =	ssettm $0x7FFFFFFF  }
tec
execute0_lowered:
.L_overlay_start_1:
0x0: {  	(tag) =	ssettag $0x1  }
0x1: {  	s2 =	srdreg.scid;
	s1 =	rddreg [dreg:$0x0]  }
0x2: {  	s0 =	stileid.u32;
	s4 =	rddreg [dreg:$0x1]  }
0x3: {  	s6 =	rddreg [dreg:$0x2];
	s16 =	simm.s32 $0x100;
	s17 =	simm.s32 $0xA00  }
0x4: {  	s18 =	simm.s32 $0x1200;
	s19 =	simm.s32 $0x1A00;
	s20 =	simm.s32 $0x2200  }
0x5: {  	s21 =	simm.s32 $0x2A00;
	s23 =	simm.s32 $0x3200;
	s2 =	sand.u32 $0x1, s2  }
0x6: {  	s24 =	simm.s32 $0x3A00;
	s5 =	sshll.u32 s0, $0x7;
	s3 =	sshll.u32 s2, $0xB  }
0x7: {  	s25 =	simm.s32 $0x4200;
	s5 =	sor.u32 s5, s3;
	s3 =	simm.s32 $0x0  }
0x8: {  	s26 =	simm.s32 $0x4A00;
	s10 =	simm.s32 $0x6200;
	[smem:$0x7FF] =	sst s3  }
0x9: {  	s11 =	simm.s32 $0x6A00;
	_ =	strace $0x80000047;
	[dreg:$0x7] =	wrdreg s16  }
0xa: {  	s12 =	simm.s32 $0x7200;
	s13 =	simm.s32 $0x7A00;
	[dreg:$0x8] =	wrdreg s17  }
0xb: {  	s14 =	simm.s32 $0x7;
	s28 =	simm.s32 $0x6600;
	[dreg:$0x9] =	wrdreg s18  }
0xc: {  	s29 =	simm.s32 $0x6E00;
	s30 =	simm.s32 $0x7600;
	[dreg:$0xa] =	wrdreg s19  }
0xd: {  	s31 =	simm.s32 $0x7E00;
	s2 =	ssub.s32 $0x2, s2;
	[dreg:$0xb] =	wrdreg s20  }
0xe: {  	s22 =	sshrl.u32 s2, $0x1;
	s7 =	sshrl.u32 s5, $0x3;
	[dreg:$0xc] =	wrdreg s21  }
0xf: {  	s5 =	sshll.u32 s5, $0x5;
	s2 =	ssub.s32 s2, s22;
	[dreg:$0xd] =	wrdreg s23  }
0x10: {  	s22 =	simm.s32 $0x3E00;
	s4 =	sadd.s32 s7, s4;
	[dreg:$0xe] =	wrdreg s24  }
0x11: {  	s15 =	sadd.s32 s6, s5;
	s5 =	simm.s32 $0x1;
	[dreg:$0xf] =	wrdreg s25  }
0x12: {  	s6 =	simm.s32 $0x3;
	[dreg:$0x10] =	wrdreg s26;
	s16 =	simm.s32 $0xE00  }
0x13: {  	s17 =	simm.s32 $0x1600;
	s18 =	simm.s32 $0x1E00;
	s19 =	simm.s32 $0x2600  }
0x14: {  	s20 =	simm.s32 $0x2E00;
	s21 =	simm.s32 $0x3600;
	s23 =	simm.s32 $0x4600  }
0x15: {  	s24 =	simm.s32 $0x4E00;
	s7 =	sadd.s32 $0xE00, s4;
	[dreg:$0x6] =	wrdreg s15  }
0x16: {  	v2 =	vlaneseq.u32;
	s25 =	simm.s32 $0x5600;
	s4 =	sadd.s32 $0x1000, s4;
	[dreg:$0x4] =	wrdreg s7  }
0x17: {  	vm0 =	vmmov $0xff;
	v1 =	vshrl.u32 v2, $0x3;
	s26 =	simm.s32 $0x5E00;
	s15 =	simm.s32 $0x600;
	[dreg:$0x5] =	wrdreg s4  }
0x18: {  	v0 =	vand.u32 $0x7, v2;
	v2 =	vor.u32 $0x8, v2;
	v1 =	vmul.u32 $0x8, v1;
	s4 =	smax.u32 s2, $0x1;
	s7 =	simm.s32 $0x200;
	s2 =	simm.s32 $0x5  }
.LBB2_1:
0x19: {  	_ =	strace $0x80000048  }
0x1a: {  	s0 =	rddreg [dreg:$0x4]  }
0x1b: {  	s8 =	rddreg [dreg:$0x5]  }
0x1c: {  	[tilespmem:s3], [sflag:$0x1] =	stream.linear.gather [hbm4b:s0+s3], $0x80, $0x200038;
	[tilespmem:$0x10200] =	vst v63  }
0x1d: {  	s9 =	rddreg [dreg:$0x7]  }
0x1e: {  	[tilespmem:s9], [sflag:$0x3] =	stream.linear.gather [hbm4b:s8+s3], $0x80, $0x200038;
	[tilespmem:$0x10200] =	vst v63  }
0x1f: {  	_ =	strace $0x90000048  }
0x20: {  	_ =	strace $0x80000049  }
0x21: {  	_ =	swait.ge [sflag:s5], $0x80  }
0x22: {  	[sflag:s5] =	ssyncset.done $0x0  }
0x23: {  	[sflag:s5] =	ssyncadd.s32 $0xFFFFFF80  }
0x24: {  	_ =	strace $0x90000049  }
0x25: {  	_ =	strace $0x8000004A  }
0x26: {  	_ =	swait.ge [sflag:s6], $0x80  }
0x27: {  	[sflag:s6] =	ssyncset.done $0x0  }
0x28: {  	[sflag:s6] =	ssyncadd.s32 $0xFFFFFF80  }
0x29: {  	_ =	strace $0x9000004A  }
0x2a: {  	_ =	strace $0x8000004B  }
0x2b: {  	v3 =	vld [tilespmem:$0x0];
	_ =	sdelay $0x4  }
0x2c: {  	v4 =	vperm.xlane v3, v0;
	_ =	sdelay $0x1  }
0x2d: {  	v3 =	vperm.xlane v3, v2;
	v4 =	vadd.s32 v1, v4;
	_ =	sdelay $0x1  }
0x2e: {  	v3 =	vadd.s32 v1, v3;
	_ =	sdelay $0x2  }
0x2f: {  	[tilespmem:s7], [sflag:$0x7] =	stream.indirect_vreg.gather [hbm4b:s1+s3], $0x80, v4, vm0, $0x2000b8;
	[tilespmem:$0x10200] =	vst v63  }
0x30: {  	s9 =	rddreg [dreg:$0x8]  }
0x31: {  	[tilespmem:s9], [sflag:$0x7] =	stream.indirect_vreg.gather [hbm4b:s1+s3], $0x80, v3, vm0, $0x2000b8;
	[tilespmem:$0x10200] =	vst v63  }
0x32: {  	v3 =	vld [tilespmem:$0x10];
	_ =	sdelay $0x4  }
0x33: {  	v49 =	vperm.xlane v3, v0;
	_ =	sdelay $0x1  }
0x34: {  	v3 =	vperm.xlane v3, v2;
	v4 =	vadd.s32 v1, v49;
	_ =	sdelay $0x1  }
0x35: {  	v3 =	vadd.s32 v1, v3;
	_ =	sdelay $0x1  }
0x36: {  	s8 =	rddreg [dreg:$0x9]  }
0x37: {  	[tilespmem:s8], [sflag:$0x7] =	stream.indirect_vreg.gather [hbm4b:s1+s3], $0x80, v4, vm0, $0x2000b8;
	[tilespmem:$0x10200] =	vst v63  }
0x38: {  	s9 =	rddreg [dreg:$0xa]  }
0x39: {  	[tilespmem:s9], [sflag:$0x7] =	stream.indirect_vreg.gather [hbm4b:s1+s3], $0x80, v3, vm0, $0x2000b8;
	[tilespmem:$0x10200] =	vst v63  }
0x3a: {  	v3 =	vld [tilespmem:$0x20];
	_ =	sdelay $0x4  }
0x3b: {  	v50 =	vperm.xlane v3, v0;
	_ =	sdelay $0x1  }
0x3c: {  	v3 =	vperm.xlane v3, v2;
	v4 =	vadd.s32 v1, v50;
	_ =	sdelay $0x1  }
0x3d: {  	v3 =	vadd.s32 v1, v3;
	_ =	sdelay $0x1  }
0x3e: {  	s8 =	rddreg [dreg:$0xb]  }
0x3f: {  	[tilespmem:s8], [sflag:$0x7] =	stream.indirect_vreg.gather [hbm4b:s1+s3], $0x80, v4, vm0, $0x2000b8;
	[tilespmem:$0x10200] =	vst v63  }
0x40: {  	s9 =	rddreg [dreg:$0xc]  }
0x41: {  	[tilespmem:s9], [sflag:$0x7] =	stream.indirect_vreg.gather [hbm4b:s1+s3], $0x80, v3, vm0, $0x2000b8;
	[tilespmem:$0x10200] =	vst v63  }
0x42: {  	v3 =	vld [tilespmem:$0x30];
	_ =	sdelay $0x4  }
0x43: {  	v51 =	vperm.xlane v3, v0;
	_ =	sdelay $0x1  }
0x44: {  	v3 =	vperm.xlane v3, v2;
	v4 =	vadd.s32 v1, v51;
	_ =	sdelay $0x1  }
0x45: {  	v3 =	vadd.s32 v1, v3;
	_ =	sdelay $0x1  }
0x46: {  	s8 =	rddreg [dreg:$0xd]  }
0x47: {  	[tilespmem:s8], [sflag:$0x7] =	stream.indirect_vreg.gather [hbm4b:s1+s3], $0x80, v4, vm0, $0x2000b8;
	[tilespmem:$0x10200] =	vst v63  }
0x48: {  	s9 =	rddreg [dreg:$0xe]  }
0x49: {  	[tilespmem:s9], [sflag:$0x7] =	stream.indirect_vreg.gather [hbm4b:s1+s3], $0x80, v3, vm0, $0x2000b8;
	[tilespmem:$0x10200] =	vst v63  }
0x4a: {  	v3 =	vld [tilespmem:$0x40];
	_ =	sdelay $0x4  }
0x4b: {  	v52 =	vperm.xlane v3, v0;
	_ =	sdelay $0x1  }
0x4c: {  	v3 =	vperm.xlane v3, v2;
	v4 =	vadd.s32 v1, v52;
	_ =	sdelay $0x1  }
0x4d: {  	v3 =	vadd.s32 v1, v3;
	_ =	sdelay $0x1  }
0x4e: {  	s8 =	rddreg [dreg:$0xf]  }
0x4f: {  	[tilespmem:s8], [sflag:$0x7] =	stream.indirect_vreg.gather [hbm4b:s1+s3], $0x80, v4, vm0, $0x2000b8;
	[tilespmem:$0x10200] =	vst v63  }
0x50: {  	s9 =	rddreg [dreg:$0x10]  }
0x51: {  	[tilespmem:s9], [sflag:$0x7] =	stream.indirect_vreg.gather [hbm4b:s1+s3], $0x80, v3, vm0, $0x2000b8;
	[tilespmem:$0x10200] =	vst v63  }
0x52: {  	v3 =	vld [tilespmem:$0x50];
	_ =	sdelay $0x4  }
0x53: {  	v53 =	vperm.xlane v3, v0;
	_ =	sdelay $0x1  }
0x54: {  	v3 =	vperm.xlane v3, v2;
	v4 =	vadd.s32 v1, v53;
	_ =	sdelay $0x1  }
0x55: {  	v3 =	vadd.s32 v1, v3;
	_ =	sdelay $0x1  }
0x56: {  	s9 =	simm.s32 $0x5200  }
0x57: {  	[tilespmem:s9], [sflag:$0x7] =	stream.indirect_vreg.gather [hbm4b:s1+s3], $0x80, v4, vm0, $0x2000b8;
	[tilespmem:$0x10200] =	vst v63  }
0x58: {  	s8 =	simm.s32 $0x5A00  }
0x59: {  	[tilespmem:s8], [sflag:$0x7] =	stream.indirect_vreg.gather [hbm4b:s1+s3], $0x80, v3, vm0, $0x2000b8;
	[tilespmem:$0x10200] =	vst v63  }
0x5a: {  	v3 =	vld [tilespmem:$0x60];
	_ =	sdelay $0x4  }
0x5b: {  	v54 =	vperm.xlane v3, v0;
	_ =	sdelay $0x1  }
0x5c: {  	v3 =	vperm.xlane v3, v2;
	v4 =	vadd.s32 v1, v54;
	_ =	sdelay $0x1  }
0x5d: {  	v3 =	vadd.s32 v1, v3;
	_ =	sdelay $0x2  }
0x5e: {  	[tilespmem:s10], [sflag:$0x7] =	stream.indirect_vreg.gather [hbm4b:s1+s3], $0x80, v4, vm0, $0x2000b8;
	[tilespmem:$0x10200] =	vst v63  }
0x5f: {  	_ = 	snop  }
0x60: {  	[tilespmem:s11], [sflag:$0x7] =	stream.indirect_vreg.gather [hbm4b:s1+s3], $0x80, v3, vm0, $0x2000b8;
	[tilespmem:$0x10200] =	vst v63  }
0x61: {  	v3 =	vld [tilespmem:$0x70];
	_ =	sdelay $0x4  }
0x62: {  	v55 =	vperm.xlane v3, v0;
	_ =	sdelay $0x1  }
0x63: {  	v3 =	vperm.xlane v3, v2;
	v4 =	vadd.s32 v1, v55;
	_ =	sdelay $0x1  }
0x64: {  	v3 =	vadd.s32 v1, v3;
	_ =	sdelay $0x2  }
0x65: {  	[tilespmem:s12], [sflag:$0x7] =	stream.indirect_vreg.gather [hbm4b:s1+s3], $0x80, v4, vm0, $0x2000b8;
	[tilespmem:$0x10200] =	vst v63  }
0x66: {  	_ = 	snop  }
0x67: {  	[tilespmem:s13], [sflag:$0x7] =	stream.indirect_vreg.gather [hbm4b:s1+s3], $0x80, v3, vm0, $0x2000b8;
	[tilespmem:$0x10200] =	vst v63  }
0x68: {  	_ =	swait.ge [sflag:s14], $0x4000  }
0x69: {  	[sflag:s14] =	ssyncset.done $0x0  }
0x6a: {  	[sflag:s14] =	ssyncadd.s32 $0xFFFFC000  }
0x6b: {  	v3 =	vld [tilespmem:$0x100];
	_ =	sdelay $0x4  }
0x6c: {  	v56 =	vperm.xlane v3, v0;
	_ =	sdelay $0x1  }
0x6d: {  	v3 =	vperm.xlane v3, v2;
	v4 =	vadd.s32 v1, v56;
	_ =	sdelay $0x1  }
0x6e: {  	v3 =	vadd.s32 v1, v3;
	_ =	sdelay $0x2  }
0x6f: {  	[tilespmem:s15], [sflag:$0x7] =	stream.indirect_vreg.gather [hbm4b:s1+s3], $0x80, v4, vm0, $0x2000b8;
	[tilespmem:$0x10200] =	vst v63  }
0x70: {  	_ = 	snop  }
0x71: {  	[tilespmem:s16], [sflag:$0x7] =	stream.indirect_vreg.gather [hbm4b:s1+s3], $0x80, v3, vm0, $0x2000b8;
	[tilespmem:$0x10200] =	vst v63  }
0x72: {  	v3 =	vld [tilespmem:$0x110];
	_ =	sdelay $0x4  }
0x73: {  	v57 =	vperm.xlane v3, v0;
	_ =	sdelay $0x1  }
0x74: {  	v3 =	vperm.xlane v3, v2;
	v4 =	vadd.s32 v1, v57;
	_ =	sdelay $0x1  }
0x75: {  	v3 =	vadd.s32 v1, v3;
	_ =	sdelay $0x2  }
0x76: {  	[tilespmem:s17], [sflag:$0x7] =	stream.indirect_vreg.gather [hbm4b:s1+s3], $0x80, v4, vm0, $0x2000b8;
	[tilespmem:$0x10200] =	vst v63  }
0x77: {  	_ = 	snop  }
0x78: {  	[tilespmem:s18], [sflag:$0x7] =	stream.indirect_vreg.gather [hbm4b:s1+s3], $0x80, v3, vm0, $0x2000b8;
	[tilespmem:$0x10200] =	vst v63  }
0x79: {  	v3 =	vld [tilespmem:$0x120];
	_ =	sdelay $0x4  }
0x7a: {  	v58 =	vperm.xlane v3, v0;
	_ =	sdelay $0x1  }
0x7b: {  	v3 =	vperm.xlane v3, v2;
	v4 =	vadd.s32 v1, v58;
	_ =	sdelay $0x1  }
0x7c: {  	v3 =	vadd.s32 v1, v3;
	_ =	sdelay $0x2  }
0x7d: {  	[tilespmem:s19], [sflag:$0x7] =	stream.indirect_vreg.gather [hbm4b:s1+s3], $0x80, v4, vm0, $0x2000b8;
	[tilespmem:$0x10200] =	vst v63  }
0x7e: {  	_ = 	snop  }
0x7f: {  	[tilespmem:s20], [sflag:$0x7] =	stream.indirect_vreg.gather [hbm4b:s1+s3], $0x80, v3, vm0, $0x2000b8;
	[tilespmem:$0x10200] =	vst v63  }
0x80: {  	v3 =	vld [tilespmem:$0x130];
	_ =	sdelay $0x4  }
0x81: {  	v59 =	vperm.xlane v3, v0;
	_ =	sdelay $0x1  }
0x82: {  	v3 =	vperm.xlane v3, v2;
	v4 =	vadd.s32 v1, v59;
	_ =	sdelay $0x1  }
0x83: {  	v3 =	vadd.s32 v1, v3;
	_ =	sdelay $0x2  }
0x84: {  	[tilespmem:s21], [sflag:$0x7] =	stream.indirect_vreg.gather [hbm4b:s1+s3], $0x80, v4, vm0, $0x2000b8;
	[tilespmem:$0x10200] =	vst v63  }
0x85: {  	_ = 	snop  }
0x86: {  	[tilespmem:s22], [sflag:$0x7] =	stream.indirect_vreg.gather [hbm4b:s1+s3], $0x80, v3, vm0, $0x2000b8;
	[tilespmem:$0x10200] =	vst v63  }
0x87: {  	v3 =	vld [tilespmem:$0x140];
	_ =	sdelay $0x4  }
0x88: {  	v60 =	vperm.xlane v3, v0;
	_ =	sdelay $0x1  }
0x89: {  	v3 =	vperm.xlane v3, v2;
	v4 =	vadd.s32 v1, v60;
	_ =	sdelay $0x1  }
0x8a: {  	v3 =	vadd.s32 v1, v3;
	_ =	sdelay $0x2  }
0x8b: {  	[tilespmem:s23], [sflag:$0x7] =	stream.indirect_vreg.gather [hbm4b:s1+s3], $0x80, v4, vm0, $0x2000b8;
	[tilespmem:$0x10200] =	vst v63  }
0x8c: {  	_ = 	snop  }
0x8d: {  	[tilespmem:s24], [sflag:$0x7] =	stream.indirect_vreg.gather [hbm4b:s1+s3], $0x80, v3, vm0, $0x2000b8;
	[tilespmem:$0x10200] =	vst v63  }
0x8e: {  	v3 =	vld [tilespmem:$0x150];
	_ =	sdelay $0x4  }
0x8f: {  	v61 =	vperm.xlane v3, v0;
	_ =	sdelay $0x1  }
0x90: {  	v3 =	vperm.xlane v3, v2;
	v4 =	vadd.s32 v1, v61;
	_ =	sdelay $0x1  }
0x91: {  	v3 =	vadd.s32 v1, v3;
	_ =	sdelay $0x2  }
0x92: {  	[tilespmem:s25], [sflag:$0x7] =	stream.indirect_vreg.gather [hbm4b:s1+s3], $0x80, v4, vm0, $0x2000b8;
	[tilespmem:$0x10200] =	vst v63  }
0x93: {  	_ = 	snop  }
0x94: {  	[tilespmem:s26], [sflag:$0x7] =	stream.indirect_vreg.gather [hbm4b:s1+s3], $0x80, v3, vm0, $0x2000b8;
	[tilespmem:$0x10200] =	vst v63  }
0x95: {  	v3 =	vld [tilespmem:$0x160];
	_ =	sdelay $0x4  }
0x96: {  	v62 =	vperm.xlane v3, v0;
	_ =	sdelay $0x1  }
0x97: {  	v3 =	vperm.xlane v3, v2;
	v4 =	vadd.s32 v1, v62;
	_ =	sdelay $0x1  }
0x98: {  	v3 =	vadd.s32 v1, v3;
	_ =	sdelay $0x2  }
0x99: {  	[tilespmem:s28], [sflag:$0x7] =	stream.indirect_vreg.gather [hbm4b:s1+s3], $0x80, v4, vm0, $0x2000b8;
	[tilespmem:$0x10200] =	vst v63  }
0x9a: {  	_ = 	snop  }
0x9b: {  	[tilespmem:s29], [sflag:$0x7] =	stream.indirect_vreg.gather [hbm4b:s1+s3], $0x80, v3, vm0, $0x2000b8;
	[tilespmem:$0x10200] =	vst v63  }
0x9c: {  	v3 =	vld [tilespmem:$0x170];
	_ =	sdelay $0x4  }
0x9d: {  	v63 =	vperm.xlane v3, v0;
	_ =	sdelay $0x1  }
0x9e: {  	v3 =	vperm.xlane v3, v2;
	v4 =	vadd.s32 v1, v63;
	_ =	sdelay $0x1  }
0x9f: {  	v3 =	vadd.s32 v1, v3;
	_ =	sdelay $0x2  }
0xa0: {  	[tilespmem:s30], [sflag:$0x7] =	stream.indirect_vreg.gather [hbm4b:s1+s3], $0x80, v4, vm0, $0x2000b8;
	[tilespmem:$0x10200] =	vst v63  }
0xa1: {  	_ = 	snop  }
0xa2: {  	[tilespmem:s31], [sflag:$0x7] =	stream.indirect_vreg.gather [hbm4b:s1+s3], $0x80, v3, vm0, $0x2000b8;
	[tilespmem:$0x10200] =	vst v63  }
0xa3: {  	_ =	swait.ge [sflag:s14], $0x4000  }
0xa4: {  	[sflag:s14] =	ssyncset.done $0x0  }
0xa5: {  	[sflag:s14] =	ssyncadd.s32 $0xFFFFC000  }
0xa6: {  	_ =	strace $0x9000004B  }
0xa7: {  	_ =	strace $0x8000004C  }
0xa8: {  	s9 =	rddreg [dreg:$0x6]  }
0xa9: {  	[hbm4b:s9+s3] =	stream.linear.scatter [tilespmem:s7], [sflag:$0x5], $0x8000, $0x200038;
	[tilespmem:$0x10200] =	vst v63  }
0xaa: {  	p0 =	sne.s32 s4, $0x1;
	_ =	strace $0x9000004C  }
.Ltmp0:
0xab: {  	_ =	strace $0x8000004D;
	(pc) =	sbr.rel @p0 .LBB2_1-.Ltmp0, $4  }
0xac: {  	_ =	swait.ge [sflag:s2], $0x8000  }
0xad: {  	[sflag:s2] =	ssyncset.done $0x0  }
0xae: {  	[sflag:s2] =	ssyncadd.s32 $0xFFFF8000  }
0xaf: {  	s4 =	sadd.s32 $0xFFFFFFFF, s4;
	_ =	strace $0x9000004D  }
0xb0: {  	_ =	sfence.sel $0x180000  }
0xb1: {  	[bflag:$0x0] =	sbarrier.arrive $0xFFFF  }
0xb2: {  	_ =	strace $0x90000047  }
0xb3: {  	s0 =	stileid.u32;
	[bflag:$0x2] =	sbarrier.arrive $0xFFFF  }
0xb4: {  	p0 =	sne.s32 s0, $0x0;
	s0 =	rddreg [dreg:$0x3]  }
0xb5: {  	s0 =	sadd.s32 @!p0 $0x100000, s0  }
0xb6: {  	[sflag:s0] =	ssyncadd.tile.s32 @!p0 $0x1;
	_ =	shalt  }
.Lfunc_end2:
_tile_overlayer_lowered:
.L_overlay_start_2:
0xb7: {  	(tag) =	ssettag $0x2  }
0xb8: {  	s0 =	rddreg [dreg:$0x0];
	s2 =	stileid.u32  }
0xb9: {  	s1 =	rddreg [dreg:$0x1];
	p0 =	sne.s32 s2, $0x0  }
0xba: {  	s3 =	rddreg [dreg:$0x2];
	[bflag:$0x3] =	sbarrier.arrive $0xFFFF;
	s2 =	simm.s32 @!p0 $0x1C01  }
0xbb: {  	[timem:s3], [sflag:s2] =	dma.local @!p0 [hbm:s0], s1  }
0xbc: {  	s0 =	simm.s32 @!p0 $0x1  }
0xbd: {  	_ =	swait.ge @!p0 [sflag:s0], s1  }
0xbe: {  	s1 =	ssub.s32 @!p0 $0x0, s1;
	[sflag:s0] =	ssyncset.done @!p0 $0x0  }
0xbf: {  	[sflag:s0] =	ssyncadd.s32 @!p0 s1  }
0xc0: {  	[bflag:$0x3] =	sbarrier.arrive $0xFFFF  }
0xc1: {  	_ =	shalt  }

</sc_bundles>
